<compile_context>
chip_gen: v7x
topology: tpu7x:2x2x1
jax: 0.10.2.dev20260603
libtpu: 0.0.44.dev20260713+nightly
codegen_flags: <defaults>
</compile_context>

<pallas_src>
import functools

import jax
import jax.numpy as jnp
from jax import lax
from jax.experimental import pallas as pl
from jax.experimental.pallas import tpu as pltpu
from jax.experimental.pallas import tpu_sc as plsc

_N = 10000
_E = 320000
_D = 128
_NC = 2
_NS = 16
_NW = _NC * _NS
_K = 125
_C = _E // (_NW * _K)
_WCH = 10
_NWIN = _C // _WCH
_NPAD = 10240
_BAND = _NPAD // _NS
_EPS = 1e-5
_RB = 5000
_G = _N // _RB
_WD = 128


def _sc_mesh():
    return plsc.VectorSubcoreMesh(
        core_axis_name="c", subcore_axis_name="s",
        num_cores=_NC, num_subcores=_NS)


_EW = _E // _NW
_VB = _EW // 16
_RCH = _BAND // 16


def _deg_pass(dstf):
    @functools.partial(
        pl.kernel,
        out_type=jax.ShapeDtypeStruct((_NC, _NS, _BAND), jnp.int32),
        mesh=_sc_mesh(),
        compiler_params=pltpu.CompilerParams(needs_layout_passes=False),
        scratch_types=[
            pltpu.VMEM((_VB, 16), jnp.int32),
            pltpu.VMEM((_NPAD,), jnp.int32),
            pltpu.VMEM((16, _BAND), jnp.int32),
            pltpu.VMEM((_BAND,), jnp.int32),
            pltpu.VMEM_SHARED((_NS, _NPAD), jnp.int32),
        ],
    )
    def k(dst_hbm, out_hbm, idx_v, hist, band, bandout, stage_sh):
        c = lax.axis_index("c")
        s = lax.axis_index("s")
        wid = c * _NS + s
        pltpu.sync_copy(dst_hbm.at[wid], idx_v)

        z16 = jnp.zeros((16,), jnp.int32)

        def zero_body(i, carry):
            hist[pl.ds(i * 16, 16)] = z16
            return carry

        lax.fori_loop(0, _NPAD // 16, zero_body, 0)

        def count_body(i, carry):
            v = idx_v[i, :]
            cnt, last = plsc.scan_count(v)
            plsc.addupdate_scatter(hist, [v], cnt, mask=last)
            return carry

        lax.fori_loop(0, _VB, count_body, 0)

        pltpu.sync_copy(hist, stage_sh.at[s])
        plsc.subcore_barrier()
        pltpu.sync_copy(stage_sh.at[:, pl.ds(s * _BAND, _BAND)], band)

        def red_body(i, carry):
            acc = band[0, pl.ds(i * 16, 16)]
            for r in range(1, _NS):
                acc = acc + band[r, pl.ds(i * 16, 16)]
            bandout[pl.ds(i * 16, 16)] = acc
            return carry

        lax.fori_loop(0, _RCH, red_body, 0)
        pltpu.sync_copy(bandout, out_hbm.at[c, s])

    return k(dstf)


def _scatter_pass(h2, src3, dst3):
    @functools.partial(
        pl.kernel,
        out_type=jax.ShapeDtypeStruct((_NC, _NPAD, _D), jnp.float32),
        mesh=_sc_mesh(),
        scratch_types=[
            pltpu.VMEM((2, _WCH, _K), jnp.int32),
            pltpu.VMEM((2, _WCH, _K), jnp.int32),
            pltpu.VMEM((2, _K, _D), jnp.float32),
            pltpu.VMEM_SHARED((_NPAD, _D), jnp.float32),
            pltpu.SemaphoreType.DMA,
            pltpu.SemaphoreType.DMA,
        ],
    )
    def k(h2_hbm, src_hbm, dst_hbm, out_hbm,
          sidx_v, didx_v, rows_v, acc_sh, sem0, sem1):
        c = lax.axis_index("c")
        s = lax.axis_index("s")
        wid = c * _NS + s

        z16 = jnp.zeros((16,), jnp.float32)

        def zrow(r, carry):
            for cc in range(_D // 16):
                rows_v[0, r, pl.ds(cc * 16, 16)] = z16
            return carry

        lax.fori_loop(0, _K, zrow, 0)
        for q in range(_BAND // _K):
            pltpu.sync_copy(rows_v.at[0],
                            acc_sh.at[pl.ds(s * _BAND + q * _K, _K)])
        rem = _BAND - (_BAND // _K) * _K
        if rem:
            pltpu.sync_copy(
                rows_v.at[0].at[pl.ds(0, rem)],
                acc_sh.at[pl.ds(s * _BAND + _BAND - rem, rem)])

        pltpu.sync_copy(src_hbm.at[wid, 0], sidx_v.at[0])
        pltpu.sync_copy(dst_hbm.at[wid, 0], didx_v.at[0])
        plsc.subcore_barrier()

        pltpu.async_copy(h2_hbm.at[sidx_v.at[0, 0]], rows_v.at[0], sem0)

        def win(w, carry):
            wb = w % 2
            nwb = (w + 1) % 2

            @pl.when(w + 1 < _NWIN)
            def _():
                pltpu.sync_copy(src_hbm.at[wid, w + 1], sidx_v.at[nwb])
                pltpu.sync_copy(dst_hbm.at[wid, w + 1], didx_v.at[nwb])

            def pair(p, carry2):
                k0 = 2 * p
                j = w * _WCH + k0
                pltpu.async_copy(h2_hbm.at[sidx_v.at[wb, k0 + 1]],
                                 rows_v.at[1], sem1)
                pltpu.make_async_copy(h2_hbm.at[sidx_v.at[wb, k0]],
                                      rows_v.at[0], sem0).wait()
                pltpu.sync_copy(rows_v.at[0], acc_sh.at[didx_v.at[wb, k0]],
                                add=True)

                @pl.when(j + 2 < _C)
                def _():
                    sel_w = jnp.where(k0 + 2 == _WCH, nwb, wb)
                    sel_k = (k0 + 2) % _WCH
                    pltpu.async_copy(h2_hbm.at[sidx_v.at[sel_w, sel_k]],
                                     rows_v.at[0], sem0)

                pltpu.make_async_copy(h2_hbm.at[sidx_v.at[wb, k0 + 1]],
                                      rows_v.at[1], sem1).wait()
                pltpu.sync_copy(rows_v.at[1],
                                acc_sh.at[didx_v.at[wb, k0 + 1]], add=True)
                return carry2

            lax.fori_loop(0, _WCH // 2, pair, carry)
            return carry

        lax.fori_loop(0, _NWIN, win, 0)
        plsc.subcore_barrier()
        pltpu.sync_copy(acc_sh.at[pl.ds(s * _BAND, _BAND)],
                        out_hbm.at[c, pl.ds(s * _BAND, _BAND)])

    return k(h2, src3, dst3)


def _tc_a(x, W, gamma2, var2, degp):
    def f(x_ref, w_ref, g_ref, v_ref, d0_ref, d1_ref, h2_ref, dinv_ref):
        sca = g_ref[...] * lax.rsqrt(v_ref[...] + _EPS)
        h = jnp.dot(x_ref[...], w_ref[...] * sca,
                    preferred_element_type=jnp.float32)
        cnt = (d0_ref[...][0] + d1_ref[...][0]).astype(jnp.float32)
        dinv = lax.rsqrt(cnt + 1.0)
        h2_ref[...] = h * dinv
        dinv_ref[...] = dinv

    row = lambda i: (i, 0)
    rep = lambda i: (0, 0)
    return pl.pallas_call(
        f,
        grid=(_G,),
        in_specs=[
            pl.BlockSpec((_RB, _D), row),
            pl.BlockSpec((_D, _D), rep),
            pl.BlockSpec((1, _D), rep),
            pl.BlockSpec((1, _D), rep),
            pl.BlockSpec((1, _RB, 1), lambda i: (0, i, 0)),
            pl.BlockSpec((1, _RB, 1), lambda i: (1, i, 0)),
        ],
        out_specs=[
            pl.BlockSpec((_RB, _D), row),
            pl.BlockSpec((_RB, 1), row),
        ],
        out_shape=[
            jax.ShapeDtypeStruct((_N, _D), jnp.float32),
            jax.ShapeDtypeStruct((_N, 1), jnp.float32),
        ],
    )(x, W, gamma2, var2, degp, degp)


def _tc_b(acc, h2, dinv, b2, mean2, beta2, gamma2, var2):
    def f(p0_ref, p1_ref, h2_ref, dinv_ref, b_ref, m_ref, bt_ref,
          g_ref, v_ref, out_ref):
        sca = g_ref[...] * lax.rsqrt(v_ref[...] + _EPS)
        t = (b_ref[...] - m_ref[...]) * sca + bt_ref[...]
        tot = p0_ref[...][0] + p1_ref[...][0] + h2_ref[...]
        out_ref[...] = jnp.maximum(tot * dinv_ref[...] + t, 0.0)

    row = lambda i: (i, 0)
    rep = lambda i: (0, 0)
    return pl.pallas_call(
        f,
        grid=(_G,),
        in_specs=[
            pl.BlockSpec((1, _RB, _D), lambda i: (0, i, 0)),
            pl.BlockSpec((1, _RB, _D), lambda i: (1, i, 0)),
            pl.BlockSpec((_RB, _D), row),
            pl.BlockSpec((_RB, 1), row),
            pl.BlockSpec((1, _D), rep),
            pl.BlockSpec((1, _D), rep),
            pl.BlockSpec((1, _D), rep),
            pl.BlockSpec((1, _D), rep),
            pl.BlockSpec((1, _D), rep),
        ],
        out_specs=pl.BlockSpec((_RB, _D), row),
        out_shape=jax.ShapeDtypeStruct((_N, _D), jnp.float32),
    )(acc, acc, h2, dinv, b2, mean2, beta2, gamma2, var2)


def kernel(x, edge_index, W, b, gamma, beta, running_mean, running_var):
    src3 = edge_index[0].astype(jnp.int32).reshape(_NW, _C, _K)
    dst3 = edge_index[1].astype(jnp.int32).reshape(_NW, _C, _K)
    src4 = src3.reshape(_NW, _NWIN, _WCH, _K)
    dst4 = dst3.reshape(_NW, _NWIN, _WCH, _K)
    dstf = dst3.reshape(_NW, _VB, 16)

    g2 = gamma.reshape(1, _D)
    v2 = running_var.reshape(1, _D)
    b2 = b.reshape(1, _D)
    m2 = running_mean.reshape(1, _D)
    bt2 = beta.reshape(1, _D)

    degp = _deg_pass(dstf)
    degp1 = degp.reshape(_NC, _NPAD, 1)
    h2, dinv = _tc_a(x, W, g2, v2, degp1)
    acc = _scatter_pass(h2, src4, dst4)
    return _tc_b(acc, h2, dinv, b2, m2, bt2, g2, v2)

# --- scband reference (transcript-rebuilt; emitter-appended) ---
"""Pipeline reference for scband-global-gcnlayer-8701603741856 (READ-ONLY COPY).

The authoritative reference and input builder live on the scoring server;
editing this copy changes nothing except your own understanding.
"""

import jax, jax.numpy as jnp
import numpy as np

N = 10000
E = 320000
D_IN = 128
D_OUT = 128

def setup_inputs(seed: int = 0) -> dict:
    key = jax.random.key(seed)
    k1, k2, k3 = jax.random.split(key, 3)
    x = jax.random.normal(k1, (N, D_IN), dtype=jnp.float32)
    edge_index = jax.random.randint(k2, (2, E), 0, N, dtype=jnp.int64)
    # GCNConv linear weight (PyG default: glorot init), bias zeros
    W = jax.random.normal(k3, (D_IN, D_OUT), dtype=jnp.float32) * (1.0 / np.sqrt(D_IN))
    b = jnp.zeros((D_OUT,), dtype=jnp.float32)
    # BatchNorm1d params/buffers (eval mode)
    gamma = jnp.ones((D_OUT,), dtype=jnp.float32)
    beta = jnp.zeros((D_OUT,), dtype=jnp.float32)
    running_mean = jnp.zeros((D_OUT,), dtype=jnp.float32)
    running_var = jnp.ones((D_OUT,), dtype=jnp.float32)
    return {"x": x, "edge_index": edge_index, "W": W, "b": b,
            "gamma": gamma, "beta": beta,
            "running_mean": running_mean, "running_var": running_var}

def reference(x, edge_index, W, b, gamma, beta, running_mean, running_var):
    n = x.shape[0]
    # GCNConv: linear transform first
    h = x @ W
    src = edge_index[0]
    dst = edge_index[1]
    # add self loops
    loop = jnp.arange(n, dtype=edge_index.dtype)
    src2 = jnp.concatenate([src, loop])
    dst2 = jnp.concatenate([dst, loop])
    # symmetric normalization: deg computed over dst (col) with edge_weight=1
    ones = jnp.ones_like(dst2, dtype=h.dtype)
    deg = jax.ops.segment_sum(ones, dst2, num_segments=n)
    deg_inv_sqrt = jnp.where(deg > 0, jax.lax.rsqrt(deg), 0.0)
    norm = deg_inv_sqrt[src2] * deg_inv_sqrt[dst2]
    # gather messages, scale, scatter-add to destination nodes
    msgs = h[src2] * norm[:, None]
    agg = jax.ops.segment_sum(msgs, dst2, num_segments=n)
    out = agg + b
    # BatchNorm1d (eval mode, running stats)
    eps = 1e-5
    out = gamma * (out - running_mean) * jax.lax.rsqrt(running_var + eps) + beta
    # ReLU; Dropout is identity in eval
    out = jax.nn.relu(out)
    return out

if __name__ == "__main__":
    import jax
    _d = setup_inputs()
    print(jax.jit(kernel)(*tuple(_d.values())))

</pallas_src>

<mosaic_0001>
#map = affine_map<(d0, d1) -> (0, 0)>
#map1 = affine_map<(d0, d1) -> (0, 0, 0, 0)>
#map2 = affine_map<(d0, d1) -> (0, 0, 0)>
module attributes {stable_mosaic.version = 14 : i64} {
  func.func @k(%arg0: i32, %arg1: i32, %arg2: memref<10000x128xf32, #tpu.memory_space<hbm>>, %arg3: memref<32x8x10x125xi32, #tpu.memory_space<hbm>>, %arg4: memref<32x8x10x125xi32, #tpu.memory_space<hbm>>, %arg5: memref<2x10240x128xf32, #tpu.memory_space<hbm>>, %arg6: memref<2x10x125xi32, #tpu.memory_space<vmem>>, %arg7: memref<2x10x125xi32, #tpu.memory_space<vmem>>, %arg8: memref<2x125x128xf32, #tpu.memory_space<vmem>>, %arg9: memref<10240x128xf32, #tpu.memory_space<vmem_shared>>, %arg10: memref<!tpu.dma_semaphore, #tpu.memory_space<semaphore_mem>>, %arg11: memref<!tpu.dma_semaphore, #tpu.memory_space<semaphore_mem>>) attributes {dimension_semantics = [#tpu.dimension_semantics<core_parallel>, #tpu.dimension_semantics<subcore_parallel>], iteration_bounds = array<i64: 2, 16>, scalar_prefetch = 0 : i64, scratch_operands = 6 : i64, tpu.core_type = #tpu.core_type<sc_vector_subcore>, window_params = [{transform_indices = #map}, {transform_indices = #map1}, {transform_indices = #map1}, {transform_indices = #map2}]} {
    %mul3A = arith.constant 16 : i32
    %mul3A_0 = arith.muli %arg0, %mul3A : i32
    %add3A = arith.addi %mul3A_0, %arg1 : i32
    %broadcast_in_dim3A = arith.constant 0.000000e+00 : f32
    %broadcast_in_dim3A_1 = vector.broadcast %broadcast_in_dim3A : f32 to vector<16xf32>
    %scan3A = arith.constant 0 : i32
    %scan3A_2 = arith.constant 0 : i32
    %scan3A_3 = arith.constant 125 : i32
    %scan3A_4 = arith.addi %scan3A_2, %scan3A_3 : i32
    %scan3A_5 = arith.constant 1 : i32
    scf.for %scan3A_64 = %scan3A_2 to %scan3A_4 step %scan3A_5  : i32 {
      %swap3A = arith.constant 0 : i32
      %swap3A_65 = arith.index_cast %swap3A : i32 to index
      %swap3A_66 = arith.index_cast %scan3A_64 : i32 to index
      %swap3A_67 = arith.constant 0 : index
      %swap3A_68 = tpu.vector_load %arg8[%swap3A_65, %swap3A_66, %swap3A_67] {strides = array<i32>} : memref<2x125x128xf32, #tpu.memory_space<vmem>>, vector<1x1x16xf32>,
      %swap3A_69 = vector.shape_cast %swap3A_68 : vector<1x1x16xf32> to vector<16xf32>
      %swap3A_70 = vector.shape_cast %broadcast_in_dim3A_1 : vector<16xf32> to vector<1x1x16xf32>
      tpu.vector_store %arg8[%swap3A_65, %swap3A_66, %swap3A_67], %swap3A_70 {strides = array<i32>} : memref<2x125x128xf32, #tpu.memory_space<vmem>>, vector<1x1x16xf32>,
      %swap3A_71 = arith.constant 0 : i32
      %swap3A_72 = arith.index_cast %swap3A_71 : i32 to index
      %swap3A_73 = arith.index_cast %scan3A_64 : i32 to index
      %swap3A_74 = arith.constant 16 : index
      %swap3A_75 = tpu.vector_load %arg8[%swap3A_72, %swap3A_73, %swap3A_74] {strides = array<i32>} : memref<2x125x128xf32, #tpu.memory_space<vmem>>, vector<1x1x16xf32>,
      %swap3A_76 = vector.shape_cast %swap3A_75 : vector<1x1x16xf32> to vector<16xf32>
      %swap3A_77 = vector.shape_cast %broadcast_in_dim3A_1 : vector<16xf32> to vector<1x1x16xf32>
      tpu.vector_store %arg8[%swap3A_72, %swap3A_73, %swap3A_74], %swap3A_77 {strides = array<i32>} : memref<2x125x128xf32, #tpu.memory_space<vmem>>, vector<1x1x16xf32>,
      %swap3A_78 = arith.constant 0 : i32
      %swap3A_79 = arith.index_cast %swap3A_78 : i32 to index
      %swap3A_80 = arith.index_cast %scan3A_64 : i32 to index
      %swap3A_81 = arith.constant 32 : index
      %swap3A_82 = tpu.vector_load %arg8[%swap3A_79, %swap3A_80, %swap3A_81] {strides = array<i32>} : memref<2x125x128xf32, #tpu.memory_space<vmem>>, vector<1x1x16xf32>,
      %swap3A_83 = vector.shape_cast %swap3A_82 : vector<1x1x16xf32> to vector<16xf32>
      %swap3A_84 = vector.shape_cast %broadcast_in_dim3A_1 : vector<16xf32> to vector<1x1x16xf32>
      tpu.vector_store %arg8[%swap3A_79, %swap3A_80, %swap3A_81], %swap3A_84 {strides = array<i32>} : memref<2x125x128xf32, #tpu.memory_space<vmem>>, vector<1x1x16xf32>,
      %swap3A_85 = arith.constant 0 : i32
      %swap3A_86 = arith.index_cast %swap3A_85 : i32 to index
      %swap3A_87 = arith.index_cast %scan3A_64 : i32 to index
      %swap3A_88 = arith.constant 48 : index
      %swap3A_89 = tpu.vector_load %arg8[%swap3A_86, %swap3A_87, %swap3A_88] {strides = array<i32>} : memref<2x125x128xf32, #tpu.memory_space<vmem>>, vector<1x1x16xf32>,
      %swap3A_90 = vector.shape_cast %swap3A_89 : vector<1x1x16xf32> to vector<16xf32>
      %swap3A_91 = vector.shape_cast %broadcast_in_dim3A_1 : vector<16xf32> to vector<1x1x16xf32>
      tpu.vector_store %arg8[%swap3A_86, %swap3A_87, %swap3A_88], %swap3A_91 {strides = array<i32>} : memref<2x125x128xf32, #tpu.memory_space<vmem>>, vector<1x1x16xf32>,
      %swap3A_92 = arith.constant 0 : i32
      %swap3A_93 = arith.index_cast %swap3A_92 : i32 to index
      %swap3A_94 = arith.index_cast %scan3A_64 : i32 to index
      %swap3A_95 = arith.constant 64 : index
      %swap3A_96 = tpu.vector_load %arg8[%swap3A_93, %swap3A_94, %swap3A_95] {strides = array<i32>} : memref<2x125x128xf32, #tpu.memory_space<vmem>>, vector<1x1x16xf32>,
      %swap3A_97 = vector.shape_cast %swap3A_96 : vector<1x1x16xf32> to vector<16xf32>
      %swap3A_98 = vector.shape_cast %broadcast_in_dim3A_1 : vector<16xf32> to vector<1x1x16xf32>
      tpu.vector_store %arg8[%swap3A_93, %swap3A_94, %swap3A_95], %swap3A_98 {strides = array<i32>} : memref<2x125x128xf32, #tpu.memory_space<vmem>>, vector<1x1x16xf32>,
      %swap3A_99 = arith.constant 0 : i32
      %swap3A_100 = arith.index_cast %swap3A_99 : i32 to index
      %swap3A_101 = arith.index_cast %scan3A_64 : i32 to index
      %swap3A_102 = arith.constant 80 : index
      %swap3A_103 = tpu.vector_load %arg8[%swap3A_100, %swap3A_101, %swap3A_102] {strides = array<i32>} : memref<2x125x128xf32, #tpu.memory_space<vmem>>, vector<1x1x16xf32>,
      %swap3A_104 = vector.shape_cast %swap3A_103 : vector<1x1x16xf32> to vector<16xf32>
      %swap3A_105 = vector.shape_cast %broadcast_in_dim3A_1 : vector<16xf32> to vector<1x1x16xf32>
      tpu.vector_store %arg8[%swap3A_100, %swap3A_101, %swap3A_102], %swap3A_105 {strides = array<i32>} : memref<2x125x128xf32, #tpu.memory_space<vmem>>, vector<1x1x16xf32>,
      %swap3A_106 = arith.constant 0 : i32
      %swap3A_107 = arith.index_cast %swap3A_106 : i32 to index
      %swap3A_108 = arith.index_cast %scan3A_64 : i32 to index
      %swap3A_109 = arith.constant 96 : index
      %swap3A_110 = tpu.vector_load %arg8[%swap3A_107, %swap3A_108, %swap3A_109] {strides = array<i32>} : memref<2x125x128xf32, #tpu.memory_space<vmem>>, vector<1x1x16xf32>,
      %swap3A_111 = vector.shape_cast %swap3A_110 : vector<1x1x16xf32> to vector<16xf32>
      %swap3A_112 = vector.shape_cast %broadcast_in_dim3A_1 : vector<16xf32> to vector<1x1x16xf32>
      tpu.vector_store %arg8[%swap3A_107, %swap3A_108, %swap3A_109], %swap3A_112 {strides = array<i32>} : memref<2x125x128xf32, #tpu.memory_space<vmem>>, vector<1x1x16xf32>,
      %swap3A_113 = arith.constant 0 : i32
      %swap3A_114 = arith.index_cast %swap3A_113 : i32 to index
      %swap3A_115 = arith.index_cast %scan3A_64 : i32 to index
      %swap3A_116 = arith.constant 112 : index
      %swap3A_117 = tpu.vector_load %arg8[%swap3A_114, %swap3A_115, %swap3A_116] {strides = array<i32>} : memref<2x125x128xf32, #tpu.memory_space<vmem>>, vector<1x1x16xf32>,
      %swap3A_118 = vector.shape_cast %swap3A_117 : vector<1x1x16xf32> to vector<16xf32>
      %swap3A_119 = vector.shape_cast %broadcast_in_dim3A_1 : vector<16xf32> to vector<1x1x16xf32>
      tpu.vector_store %arg8[%swap3A_114, %swap3A_115, %swap3A_116], %swap3A_119 {strides = array<i32>} : memref<2x125x128xf32, #tpu.memory_space<vmem>>, vector<1x1x16xf32>,
    }
    %scan3A_6 = arith.constant 125 : i32
    %mul3A_7 = arith.constant 640 : i32
    %mul3A_8 = arith.muli %arg1, %mul3A_7 : i32
    %add3A_9 = arith.constant 0 : i32
    %add3A_10 = arith.addi %mul3A_8, %add3A_9 : i32
    %run_scoped3A = arith.constant 0 : i32
    "tpu.region"() ({
      %run_scoped3A_64 = tpu.sem_alloc : memref<!tpu.dma_semaphore, #tpu.memory_space<semaphore_mem>>
      %dma_start3A_65 = arith.constant 0 : i32
      %dma_start3A_66 = arith.constant 0 : i32
      %dma_start3A_67 = tpu.memref_slice %arg8[%run_scoped3A, %dma_start3A_65, %dma_start3A_66] : memref<2x125x128xf32, #tpu.memory_space<vmem>> -> memref<1x125x128xf32, #tpu.memory_space<vmem>>
      %dma_start3A_68 = tpu.memref_squeeze %dma_start3A_67 : memref<1x125x128xf32, #tpu.memory_space<vmem>> -> memref<125x128xf32, #tpu.memory_space<vmem>>
      %dma_start3A_69 = arith.constant 0 : i32
      %dma_start3A_70 = tpu.memref_slice %arg9[%add3A_10, %dma_start3A_69] : memref<10240x128xf32, #tpu.memory_space<vmem_shared>> -> memref<125x128xf32, #tpu.memory_space<vmem_shared>>
      %dma_start3A_71 = arith.constant 0 : i32
      %dma_start3A_72 = tpu.memref_slice %arg9[%add3A_10, %dma_start3A_71] : memref<10240x128xf32, #tpu.memory_space<vmem_shared>> -> memref<125x128xf32, #tpu.memory_space<vmem_shared>>
      %dma_start3A_73 = arith.constant 0 : i32
      %dma_start3A_74 = arith.constant 0 : i32
      %dma_start3A_75 = tpu.memref_slice %arg8[%run_scoped3A, %dma_start3A_73, %dma_start3A_74] : memref<2x125x128xf32, #tpu.memory_space<vmem>> -> memref<1x125x128xf32, #tpu.memory_space<vmem>>
      %dma_start3A_76 = tpu.memref_squeeze %dma_start3A_75 : memref<1x125x128xf32, #tpu.memory_space<vmem>> -> memref<125x128xf32, #tpu.memory_space<vmem>>
      tpu.enqueue_dma source(%dma_start3A_76 : memref<125x128xf32, #tpu.memory_space<vmem>>) target(%dma_start3A_72 : memref<125x128xf32, #tpu.memory_space<vmem_shared>>) target_semaphore(%run_scoped3A_64 : memref<!tpu.dma_semaphore, #tpu.memory_space<semaphore_mem>>)
      %dma_wait3A = arith.constant 0 : i32
      %dma_wait3A_77 = arith.constant 0 : i32
      %dma_wait3A_78 = tpu.memref_slice %arg8[%run_scoped3A, %dma_wait3A, %dma_wait3A_77] : memref<2x125x128xf32, #tpu.memory_space<vmem>> -> memref<1x125x128xf32, #tpu.memory_space<vmem>>
      %dma_wait3A_79 = tpu.memref_squeeze %dma_wait3A_78 : memref<1x125x128xf32, #tpu.memory_space<vmem>> -> memref<125x128xf32, #tpu.memory_space<vmem>>
      %dma_wait3A_80 = arith.constant 0 : i32
      %dma_wait3A_81 = tpu.memref_slice %arg9[%add3A_10, %dma_wait3A_80] : memref<10240x128xf32, #tpu.memory_space<vmem_shared>> -> memref<125x128xf32, #tpu.memory_space<vmem_shared>>
      %dma_wait3A_82 = arith.constant 0 : i32
      %dma_wait3A_83 = tpu.memref_slice %arg9[%add3A_10, %dma_wait3A_82] : memref<10240x128xf32, #tpu.memory_space<vmem_shared>> -> memref<125x128xf32, #tpu.memory_space<vmem_shared>>
      %dma_wait3A_84 = arith.constant 0 : i32
      %dma_wait3A_85 = arith.constant 0 : i32
      %dma_wait3A_86 = tpu.memref_slice %arg8[%run_scoped3A, %dma_wait3A_84, %dma_wait3A_85] : memref<2x125x128xf32, #tpu.memory_space<vmem>> -> memref<1x125x128xf32, #tpu.memory_space<vmem>>
      %dma_wait3A_87 = tpu.memref_squeeze %dma_wait3A_86 : memref<1x125x128xf32, #tpu.memory_space<vmem>> -> memref<125x128xf32, #tpu.memory_space<vmem>>
      tpu.wait_dma2 semaphore(%run_scoped3A_64 : memref<!tpu.dma_semaphore, #tpu.memory_space<semaphore_mem>>) src(%dma_wait3A_87 : memref<125x128xf32, #tpu.memory_space<vmem>>) dst(%dma_wait3A_83 : memref<125x128xf32, #tpu.memory_space<vmem_shared>>)
      tpu.yield
    }) : () -> ()
    %mul3A_11 = arith.constant 640 : i32
    %mul3A_12 = arith.muli %arg1, %mul3A_11 : i32
    %add3A_13 = arith.constant 125 : i32
    %add3A_14 = arith.addi %mul3A_12, %add3A_13 : i32
    %run_scoped3A_15 = arith.constant 0 : i32
    "tpu.region"() ({
      %run_scoped3A_64 = tpu.sem_alloc : memref<!tpu.dma_semaphore, #tpu.memory_space<semaphore_mem>>
      %dma_start3A_65 = arith.constant 0 : i32
      %dma_start3A_66 = arith.constant 0 : i32
      %dma_start3A_67 = tpu.memref_slice %arg8[%run_scoped3A_15, %dma_start3A_65, %dma_start3A_66] : memref<2x125x128xf32, #tpu.memory_space<vmem>> -> memref<1x125x128xf32, #tpu.memory_space<vmem>>
      %dma_start3A_68 = tpu.memref_squeeze %dma_start3A_67 : memref<1x125x128xf32, #tpu.memory_space<vmem>> -> memref<125x128xf32, #tpu.memory_space<vmem>>
      %dma_start3A_69 = arith.constant 0 : i32
      %dma_start3A_70 = tpu.memref_slice %arg9[%add3A_14, %dma_start3A_69] : memref<10240x128xf32, #tpu.memory_space<vmem_shared>> -> memref<125x128xf32, #tpu.memory_space<vmem_shared>>
      %dma_start3A_71 = arith.constant 0 : i32
      %dma_start3A_72 = tpu.memref_slice %arg9[%add3A_14, %dma_start3A_71] : memref<10240x128xf32, #tpu.memory_space<vmem_shared>> -> memref<125x128xf32, #tpu.memory_space<vmem_shared>>
      %dma_start3A_73 = arith.constant 0 : i32
      %dma_start3A_74 = arith.constant 0 : i32
      %dma_start3A_75 = tpu.memref_slice %arg8[%run_scoped3A_15, %dma_start3A_73, %dma_start3A_74] : memref<2x125x128xf32, #tpu.memory_space<vmem>> -> memref<1x125x128xf32, #tpu.memory_space<vmem>>
      %dma_start3A_76 = tpu.memref_squeeze %dma_start3A_75 : memref<1x125x128xf32, #tpu.memory_space<vmem>> -> memref<125x128xf32, #tpu.memory_space<vmem>>
      tpu.enqueue_dma source(%dma_start3A_76 : memref<125x128xf32, #tpu.memory_space<vmem>>) target(%dma_start3A_72 : memref<125x128xf32, #tpu.memory_space<vmem_shared>>) target_semaphore(%run_scoped3A_64 : memref<!tpu.dma_semaphore, #tpu.memory_space<semaphore_mem>>)
      %dma_wait3A = arith.constant 0 : i32
      %dma_wait3A_77 = arith.constant 0 : i32
      %dma_wait3A_78 = tpu.memref_slice %arg8[%run_scoped3A_15, %dma_wait3A, %dma_wait3A_77] : memref<2x125x128xf32, #tpu.memory_space<vmem>> -> memref<1x125x128xf32, #tpu.memory_space<vmem>>
      %dma_wait3A_79 = tpu.memref_squeeze %dma_wait3A_78 : memref<1x125x128xf32, #tpu.memory_space<vmem>> -> memref<125x128xf32, #tpu.memory_space<vmem>>
      %dma_wait3A_80 = arith.constant 0 : i32
      %dma_wait3A_81 = tpu.memref_slice %arg9[%add3A_14, %dma_wait3A_80] : memref<10240x128xf32, #tpu.memory_space<vmem_shared>> -> memref<125x128xf32, #tpu.memory_space<vmem_shared>>
      %dma_wait3A_82 = arith.constant 0 : i32
      %dma_wait3A_83 = tpu.memref_slice %arg9[%add3A_14, %dma_wait3A_82] : memref<10240x128xf32, #tpu.memory_space<vmem_shared>> -> memref<125x128xf32, #tpu.memory_space<vmem_shared>>
      %dma_wait3A_84 = arith.constant 0 : i32
      %dma_wait3A_85 = arith.constant 0 : i32
      %dma_wait3A_86 = tpu.memref_slice %arg8[%run_scoped3A_15, %dma_wait3A_84, %dma_wait3A_85] : memref<2x125x128xf32, #tpu.memory_space<vmem>> -> memref<1x125x128xf32, #tpu.memory_space<vmem>>
      %dma_wait3A_87 = tpu.memref_squeeze %dma_wait3A_86 : memref<1x125x128xf32, #tpu.memory_space<vmem>> -> memref<125x128xf32, #tpu.memory_space<vmem>>
      tpu.wait_dma2 semaphore(%run_scoped3A_64 : memref<!tpu.dma_semaphore, #tpu.memory_space<semaphore_mem>>) src(%dma_wait3A_87 : memref<125x128xf32, #tpu.memory_space<vmem>>) dst(%dma_wait3A_83 : memref<125x128xf32, #tpu.memory_space<vmem_shared>>)
      tpu.yield
    }) : () -> ()
    %mul3A_16 = arith.constant 640 : i32
    %mul3A_17 = arith.muli %arg1, %mul3A_16 : i32
    %add3A_18 = arith.constant 250 : i32
    %add3A_19 = arith.addi %mul3A_17, %add3A_18 : i32
    %run_scoped3A_20 = arith.constant 0 : i32
    "tpu.region"() ({
      %run_scoped3A_64 = tpu.sem_alloc : memref<!tpu.dma_semaphore, #tpu.memory_space<semaphore_mem>>
      %dma_start3A_65 = arith.constant 0 : i32
      %dma_start3A_66 = arith.constant 0 : i32
      %dma_start3A_67 = tpu.memref_slice %arg8[%run_scoped3A_20, %dma_start3A_65, %dma_start3A_66] : memref<2x125x128xf32, #tpu.memory_space<vmem>> -> memref<1x125x128xf32, #tpu.memory_space<vmem>>
      %dma_start3A_68 = tpu.memref_squeeze %dma_start3A_67 : memref<1x125x128xf32, #tpu.memory_space<vmem>> -> memref<125x128xf32, #tpu.memory_space<vmem>>
      %dma_start3A_69 = arith.constant 0 : i32
      %dma_start3A_70 = tpu.memref_slice %arg9[%add3A_19, %dma_start3A_69] : memref<10240x128xf32, #tpu.memory_space<vmem_shared>> -> memref<125x128xf32, #tpu.memory_space<vmem_shared>>
      %dma_start3A_71 = arith.constant 0 : i32
      %dma_start3A_72 = tpu.memref_slice %arg9[%add3A_19, %dma_start3A_71] : memref<10240x128xf32, #tpu.memory_space<vmem_shared>> -> memref<125x128xf32, #tpu.memory_space<vmem_shared>>
      %dma_start3A_73 = arith.constant 0 : i32
      %dma_start3A_74 = arith.constant 0 : i32
      %dma_start3A_75 = tpu.memref_slice %arg8[%run_scoped3A_20, %dma_start3A_73, %dma_start3A_74] : memref<2x125x128xf32, #tpu.memory_space<vmem>> -> memref<1x125x128xf32, #tpu.memory_space<vmem>>
      %dma_start3A_76 = tpu.memref_squeeze %dma_start3A_75 : memref<1x125x128xf32, #tpu.memory_space<vmem>> -> memref<125x128xf32, #tpu.memory_space<vmem>>
      tpu.enqueue_dma source(%dma_start3A_76 : memref<125x128xf32, #tpu.memory_space<vmem>>) target(%dma_start3A_72 : memref<125x128xf32, #tpu.memory_space<vmem_shared>>) target_semaphore(%run_scoped3A_64 : memref<!tpu.dma_semaphore, #tpu.memory_space<semaphore_mem>>)
      %dma_wait3A = arith.constant 0 : i32
      %dma_wait3A_77 = arith.constant 0 : i32
      %dma_wait3A_78 = tpu.memref_slice %arg8[%run_scoped3A_20, %dma_wait3A, %dma_wait3A_77] : memref<2x125x128xf32, #tpu.memory_space<vmem>> -> memref<1x125x128xf32, #tpu.memory_space<vmem>>
      %dma_wait3A_79 = tpu.memref_squeeze %dma_wait3A_78 : memref<1x125x128xf32, #tpu.memory_space<vmem>> -> memref<125x128xf32, #tpu.memory_space<vmem>>
      %dma_wait3A_80 = arith.constant 0 : i32
      %dma_wait3A_81 = tpu.memref_slice %arg9[%add3A_19, %dma_wait3A_80] : memref<10240x128xf32, #tpu.memory_space<vmem_shared>> -> memref<125x128xf32, #tpu.memory_space<vmem_shared>>
      %dma_wait3A_82 = arith.constant 0 : i32
      %dma_wait3A_83 = tpu.memref_slice %arg9[%add3A_19, %dma_wait3A_82] : memref<10240x128xf32, #tpu.memory_space<vmem_shared>> -> memref<125x128xf32, #tpu.memory_space<vmem_shared>>
      %dma_wait3A_84 = arith.constant 0 : i32
      %dma_wait3A_85 = arith.constant 0 : i32
      %dma_wait3A_86 = tpu.memref_slice %arg8[%run_scoped3A_20, %dma_wait3A_84, %dma_wait3A_85] : memref<2x125x128xf32, #tpu.memory_space<vmem>> -> memref<1x125x128xf32, #tpu.memory_space<vmem>>
      %dma_wait3A_87 = tpu.memref_squeeze %dma_wait3A_86 : memref<1x125x128xf32, #tpu.memory_space<vmem>> -> memref<125x128xf32, #tpu.memory_space<vmem>>
      tpu.wait_dma2 semaphore(%run_scoped3A_64 : memref<!tpu.dma_semaphore, #tpu.memory_space<semaphore_mem>>) src(%dma_wait3A_87 : memref<125x128xf32, #tpu.memory_space<vmem>>) dst(%dma_wait3A_83 : memref<125x128xf32, #tpu.memory_space<vmem_shared>>)
      tpu.yield
    }) : () -> ()
    %mul3A_21 = arith.constant 640 : i32
    %mul3A_22 = arith.muli %arg1, %mul3A_21 : i32
    %add3A_23 = arith.constant 375 : i32
    %add3A_24 = arith.addi %mul3A_22, %add3A_23 : i32
    %run_scoped3A_25 = arith.constant 0 : i32
    "tpu.region"() ({
      %run_scoped3A_64 = tpu.sem_alloc : memref<!tpu.dma_semaphore, #tpu.memory_space<semaphore_mem>>
      %dma_start3A_65 = arith.constant 0 : i32
      %dma_start3A_66 = arith.constant 0 : i32
      %dma_start3A_67 = tpu.memref_slice %arg8[%run_scoped3A_25, %dma_start3A_65, %dma_start3A_66] : memref<2x125x128xf32, #tpu.memory_space<vmem>> -> memref<1x125x128xf32, #tpu.memory_space<vmem>>
      %dma_start3A_68 = tpu.memref_squeeze %dma_start3A_67 : memref<1x125x128xf32, #tpu.memory_space<vmem>> -> memref<125x128xf32, #tpu.memory_space<vmem>>
      %dma_start3A_69 = arith.constant 0 : i32
      %dma_start3A_70 = tpu.memref_slice %arg9[%add3A_24, %dma_start3A_69] : memref<10240x128xf32, #tpu.memory_space<vmem_shared>> -> memref<125x128xf32, #tpu.memory_space<vmem_shared>>
      %dma_start3A_71 = arith.constant 0 : i32
      %dma_start3A_72 = tpu.memref_slice %arg9[%add3A_24, %dma_start3A_71] : memref<10240x128xf32, #tpu.memory_space<vmem_shared>> -> memref<125x128xf32, #tpu.memory_space<vmem_shared>>
      %dma_start3A_73 = arith.constant 0 : i32
      %dma_start3A_74 = arith.constant 0 : i32
      %dma_start3A_75 = tpu.memref_slice %arg8[%run_scoped3A_25, %dma_start3A_73, %dma_start3A_74] : memref<2x125x128xf32, #tpu.memory_space<vmem>> -> memref<1x125x128xf32, #tpu.memory_space<vmem>>
      %dma_start3A_76 = tpu.memref_squeeze %dma_start3A_75 : memref<1x125x128xf32, #tpu.memory_space<vmem>> -> memref<125x128xf32, #tpu.memory_space<vmem>>
      tpu.enqueue_dma source(%dma_start3A_76 : memref<125x128xf32, #tpu.memory_space<vmem>>) target(%dma_start3A_72 : memref<125x128xf32, #tpu.memory_space<vmem_shared>>) target_semaphore(%run_scoped3A_64 : memref<!tpu.dma_semaphore, #tpu.memory_space<semaphore_mem>>)
      %dma_wait3A = arith.constant 0 : i32
      %dma_wait3A_77 = arith.constant 0 : i32
      %dma_wait3A_78 = tpu.memref_slice %arg8[%run_scoped3A_25, %dma_wait3A, %dma_wait3A_77] : memref<2x125x128xf32, #tpu.memory_space<vmem>> -> memref<1x125x128xf32, #tpu.memory_space<vmem>>
      %dma_wait3A_79 = tpu.memref_squeeze %dma_wait3A_78 : memref<1x125x128xf32, #tpu.memory_space<vmem>> -> memref<125x128xf32, #tpu.memory_space<vmem>>
      %dma_wait3A_80 = arith.constant 0 : i32
      %dma_wait3A_81 = tpu.memref_slice %arg9[%add3A_24, %dma_wait3A_80] : memref<10240x128xf32, #tpu.memory_space<vmem_shared>> -> memref<125x128xf32, #tpu.memory_space<vmem_shared>>
      %dma_wait3A_82 = arith.constant 0 : i32
      %dma_wait3A_83 = tpu.memref_slice %arg9[%add3A_24, %dma_wait3A_82] : memref<10240x128xf32, #tpu.memory_space<vmem_shared>> -> memref<125x128xf32, #tpu.memory_space<vmem_shared>>
      %dma_wait3A_84 = arith.constant 0 : i32
      %dma_wait3A_85 = arith.constant 0 : i32
      %dma_wait3A_86 = tpu.memref_slice %arg8[%run_scoped3A_25, %dma_wait3A_84, %dma_wait3A_85] : memref<2x125x128xf32, #tpu.memory_space<vmem>> -> memref<1x125x128xf32, #tpu.memory_space<vmem>>
      %dma_wait3A_87 = tpu.memref_squeeze %dma_wait3A_86 : memref<1x125x128xf32, #tpu.memory_space<vmem>> -> memref<125x128xf32, #tpu.memory_space<vmem>>
      tpu.wait_dma2 semaphore(%run_scoped3A_64 : memref<!tpu.dma_semaphore, #tpu.memory_space<semaphore_mem>>) src(%dma_wait3A_87 : memref<125x128xf32, #tpu.memory_space<vmem>>) dst(%dma_wait3A_83 : memref<125x128xf32, #tpu.memory_space<vmem_shared>>)
      tpu.yield
    }) : () -> ()
    %mul3A_26 = arith.constant 640 : i32
    %mul3A_27 = arith.muli %arg1, %mul3A_26 : i32
    %add3A_28 = arith.constant 500 : i32
    %add3A_29 = arith.addi %mul3A_27, %add3A_28 : i32
    %run_scoped3A_30 = arith.constant 0 : i32
    "tpu.region"() ({
      %run_scoped3A_64 = tpu.sem_alloc : memref<!tpu.dma_semaphore, #tpu.memory_space<semaphore_mem>>
      %dma_start3A_65 = arith.constant 0 : i32
      %dma_start3A_66 = arith.constant 0 : i32
      %dma_start3A_67 = tpu.memref_slice %arg8[%run_scoped3A_30, %dma_start3A_65, %dma_start3A_66] : memref<2x125x128xf32, #tpu.memory_space<vmem>> -> memref<1x125x128xf32, #tpu.memory_space<vmem>>
      %dma_start3A_68 = tpu.memref_squeeze %dma_start3A_67 : memref<1x125x128xf32, #tpu.memory_space<vmem>> -> memref<125x128xf32, #tpu.memory_space<vmem>>
      %dma_start3A_69 = arith.constant 0 : i32
      %dma_start3A_70 = tpu.memref_slice %arg9[%add3A_29, %dma_start3A_69] : memref<10240x128xf32, #tpu.memory_space<vmem_shared>> -> memref<125x128xf32, #tpu.memory_space<vmem_shared>>
      %dma_start3A_71 = arith.constant 0 : i32
      %dma_start3A_72 = tpu.memref_slice %arg9[%add3A_29, %dma_start3A_71] : memref<10240x128xf32, #tpu.memory_space<vmem_shared>> -> memref<125x128xf32, #tpu.memory_space<vmem_shared>>
      %dma_start3A_73 = arith.constant 0 : i32
      %dma_start3A_74 = arith.constant 0 : i32
      %dma_start3A_75 = tpu.memref_slice %arg8[%run_scoped3A_30, %dma_start3A_73, %dma_start3A_74] : memref<2x125x128xf32, #tpu.memory_space<vmem>> -> memref<1x125x128xf32, #tpu.memory_space<vmem>>
      %dma_start3A_76 = tpu.memref_squeeze %dma_start3A_75 : memref<1x125x128xf32, #tpu.memory_space<vmem>> -> memref<125x128xf32, #tpu.memory_space<vmem>>
      tpu.enqueue_dma source(%dma_start3A_76 : memref<125x128xf32, #tpu.memory_space<vmem>>) target(%dma_start3A_72 : memref<125x128xf32, #tpu.memory_space<vmem_shared>>) target_semaphore(%run_scoped3A_64 : memref<!tpu.dma_semaphore, #tpu.memory_space<semaphore_mem>>)
      %dma_wait3A = arith.constant 0 : i32
      %dma_wait3A_77 = arith.constant 0 : i32
      %dma_wait3A_78 = tpu.memref_slice %arg8[%run_scoped3A_30, %dma_wait3A, %dma_wait3A_77] : memref<2x125x128xf32, #tpu.memory_space<vmem>> -> memref<1x125x128xf32, #tpu.memory_space<vmem>>
      %dma_wait3A_79 = tpu.memref_squeeze %dma_wait3A_78 : memref<1x125x128xf32, #tpu.memory_space<vmem>> -> memref<125x128xf32, #tpu.memory_space<vmem>>
      %dma_wait3A_80 = arith.constant 0 : i32
      %dma_wait3A_81 = tpu.memref_slice %arg9[%add3A_29, %dma_wait3A_80] : memref<10240x128xf32, #tpu.memory_space<vmem_shared>> -> memref<125x128xf32, #tpu.memory_space<vmem_shared>>
      %dma_wait3A_82 = arith.constant 0 : i32
      %dma_wait3A_83 = tpu.memref_slice %arg9[%add3A_29, %dma_wait3A_82] : memref<10240x128xf32, #tpu.memory_space<vmem_shared>> -> memref<125x128xf32, #tpu.memory_space<vmem_shared>>
      %dma_wait3A_84 = arith.constant 0 : i32
      %dma_wait3A_85 = arith.constant 0 : i32
      %dma_wait3A_86 = tpu.memref_slice %arg8[%run_scoped3A_30, %dma_wait3A_84, %dma_wait3A_85] : memref<2x125x128xf32, #tpu.memory_space<vmem>> -> memref<1x125x128xf32, #tpu.memory_space<vmem>>
      %dma_wait3A_87 = tpu.memref_squeeze %dma_wait3A_86 : memref<1x125x128xf32, #tpu.memory_space<vmem>> -> memref<125x128xf32, #tpu.memory_space<vmem>>
      tpu.wait_dma2 semaphore(%run_scoped3A_64 : memref<!tpu.dma_semaphore, #tpu.memory_space<semaphore_mem>>) src(%dma_wait3A_87 : memref<125x128xf32, #tpu.memory_space<vmem>>) dst(%dma_wait3A_83 : memref<125x128xf32, #tpu.memory_space<vmem_shared>>)
      tpu.yield
    }) : () -> ()
    %mul3A_31 = arith.constant 640 : i32
    %mul3A_32 = arith.muli %arg1, %mul3A_31 : i32
    %add3A_33 = arith.constant 640 : i32
    %add3A_34 = arith.addi %mul3A_32, %add3A_33 : i32
    %sub3A = arith.constant 15 : i32
    %sub3A_35 = arith.subi %add3A_34, %sub3A : i32
    %run_scoped3A_36 = arith.constant 0 : i32
    "tpu.region"() ({
      %run_scoped3A_64 = tpu.sem_alloc : memref<!tpu.dma_semaphore, #tpu.memory_space<semaphore_mem>>
      %dma_start3A_65 = arith.constant 0 : i32
      %dma_start3A_66 = arith.constant 0 : i32
      %dma_start3A_67 = tpu.memref_slice %arg8[%run_scoped3A_36, %dma_start3A_65, %dma_start3A_66] : memref<2x125x128xf32, #tpu.memory_space<vmem>> -> memref<1x125x128xf32, #tpu.memory_space<vmem>>
      %dma_start3A_68 = tpu.memref_squeeze %dma_start3A_67 : memref<1x125x128xf32, #tpu.memory_space<vmem>> -> memref<125x128xf32, #tpu.memory_space<vmem>>
      %dma_start3A_69 = arith.constant 0 : i32
      %dma_start3A_70 = arith.constant 0 : i32
      %dma_start3A_71 = tpu.memref_slice %dma_start3A_68[%dma_start3A_69, %dma_start3A_70] : memref<125x128xf32, #tpu.memory_space<vmem>> -> memref<15x128xf32, #tpu.memory_space<vmem>>
      %dma_start3A_72 = arith.constant 0 : i32
      %dma_start3A_73 = tpu.memref_slice %arg9[%sub3A_35, %dma_start3A_72] : memref<10240x128xf32, #tpu.memory_space<vmem_shared>> -> memref<15x128xf32, #tpu.memory_space<vmem_shared>>
      %dma_start3A_74 = arith.constant 0 : i32
      %dma_start3A_75 = tpu.memref_slice %arg9[%sub3A_35, %dma_start3A_74] : memref<10240x128xf32, #tpu.memory_space<vmem_shared>> -> memref<15x128xf32, #tpu.memory_space<vmem_shared>>
      %dma_start3A_76 = arith.constant 0 : i32
      %dma_start3A_77 = arith.constant 0 : i32
      %dma_start3A_78 = tpu.memref_slice %arg8[%run_scoped3A_36, %dma_start3A_76, %dma_start3A_77] : memref<2x125x128xf32, #tpu.memory_space<vmem>> -> memref<1x125x128xf32, #tpu.memory_space<vmem>>
      %dma_start3A_79 = tpu.memref_squeeze %dma_start3A_78 : memref<1x125x128xf32, #tpu.memory_space<vmem>> -> memref<125x128xf32, #tpu.memory_space<vmem>>
      %dma_start3A_80 = arith.constant 0 : i32
      %dma_start3A_81 = arith.constant 0 : i32
      %dma_start3A_82 = tpu.memref_slice %dma_start3A_79[%dma_start3A_80, %dma_start3A_81] : memref<125x128xf32, #tpu.memory_space<vmem>> -> memref<15x128xf32, #tpu.memory_space<vmem>>
      tpu.enqueue_dma source(%dma_start3A_82 : memref<15x128xf32, #tpu.memory_space<vmem>>) target(%dma_start3A_75 : memref<15x128xf32, #tpu.memory_space<vmem_shared>>) target_semaphore(%run_scoped3A_64 : memref<!tpu.dma_semaphore, #tpu.memory_space<semaphore_mem>>)
      %dma_wait3A = arith.constant 0 : i32
      %dma_wait3A_83 = arith.constant 0 : i32
      %dma_wait3A_84 = tpu.memref_slice %arg8[%run_scoped3A_36, %dma_wait3A, %dma_wait3A_83] : memref<2x125x128xf32, #tpu.memory_space<vmem>> -> memref<1x125x128xf32, #tpu.memory_space<vmem>>
      %dma_wait3A_85 = tpu.memref_squeeze %dma_wait3A_84 : memref<1x125x128xf32, #tpu.memory_space<vmem>> -> memref<125x128xf32, #tpu.memory_space<vmem>>
      %dma_wait3A_86 = arith.constant 0 : i32
      %dma_wait3A_87 = arith.constant 0 : i32
      %dma_wait3A_88 = tpu.memref_slice %dma_wait3A_85[%dma_wait3A_86, %dma_wait3A_87] : memref<125x128xf32, #tpu.memory_space<vmem>> -> memref<15x128xf32, #tpu.memory_space<vmem>>
      %dma_wait3A_89 = arith.constant 0 : i32
      %dma_wait3A_90 = tpu.memref_slice %arg9[%sub3A_35, %dma_wait3A_89] : memref<10240x128xf32, #tpu.memory_space<vmem_shared>> -> memref<15x128xf32, #tpu.memory_space<vmem_shared>>
      %dma_wait3A_91 = arith.constant 0 : i32
      %dma_wait3A_92 = tpu.memref_slice %arg9[%sub3A_35, %dma_wait3A_91] : memref<10240x128xf32, #tpu.memory_space<vmem_shared>> -> memref<15x128xf32, #tpu.memory_space<vmem_shared>>
      %dma_wait3A_93 = arith.constant 0 : i32
      %dma_wait3A_94 = arith.constant 0 : i32
      %dma_wait3A_95 = tpu.memref_slice %arg8[%run_scoped3A_36, %dma_wait3A_93, %dma_wait3A_94] : memref<2x125x128xf32, #tpu.memory_space<vmem>> -> memref<1x125x128xf32, #tpu.memory_space<vmem>>
      %dma_wait3A_96 = tpu.memref_squeeze %dma_wait3A_95 : memref<1x125x128xf32, #tpu.memory_space<vmem>> -> memref<125x128xf32, #tpu.memory_space<vmem>>
      %dma_wait3A_97 = arith.constant 0 : i32
      %dma_wait3A_98 = arith.constant 0 : i32
      %dma_wait3A_99 = tpu.memref_slice %dma_wait3A_96[%dma_wait3A_97, %dma_wait3A_98] : memref<125x128xf32, #tpu.memory_space<vmem>> -> memref<15x128xf32, #tpu.memory_space<vmem>>
      tpu.wait_dma2 semaphore(%run_scoped3A_64 : memref<!tpu.dma_semaphore, #tpu.memory_space<semaphore_mem>>) src(%dma_wait3A_99 : memref<15x128xf32, #tpu.memory_space<vmem>>) dst(%dma_wait3A_92 : memref<15x128xf32, #tpu.memory_space<vmem_shared>>)
      tpu.yield
    }) : () -> ()
    %run_scoped3A_37 = arith.constant 0 : i32
    %run_scoped3A_38 = arith.constant 0 : i32
    "tpu.region"() ({
      %run_scoped3A_64 = tpu.sem_alloc : memref<!tpu.dma_semaphore, #tpu.memory_space<semaphore_mem>>
      %dma_start3A_65 = arith.constant 0 : i32
      %dma_start3A_66 = arith.constant 0 : i32
      %dma_start3A_67 = tpu.memref_slice %arg6[%run_scoped3A_38, %dma_start3A_65, %dma_start3A_66] : memref<2x10x125xi32, #tpu.memory_space<vmem>> -> memref<1x10x125xi32, #tpu.memory_space<vmem>>
      %dma_start3A_68 = tpu.memref_squeeze %dma_start3A_67 : memref<1x10x125xi32, #tpu.memory_space<vmem>> -> memref<10x125xi32, #tpu.memory_space<vmem>>
      %dma_start3A_69 = arith.constant 0 : i32
      %dma_start3A_70 = arith.constant 0 : i32
      %dma_start3A_71 = tpu.memref_slice %arg3[%add3A, %run_scoped3A_37, %dma_start3A_69, %dma_start3A_70] : memref<32x8x10x125xi32, #tpu.memory_space<hbm>> -> memref<1x1x10x125xi32, #tpu.memory_space<hbm>>
      %dma_start3A_72 = tpu.memref_squeeze %dma_start3A_71 : memref<1x1x10x125xi32, #tpu.memory_space<hbm>> -> memref<10x125xi32, #tpu.memory_space<hbm>>
      %dma_start3A_73 = arith.constant 0 : i32
      %dma_start3A_74 = arith.constant 0 : i32
      %dma_start3A_75 = tpu.memref_slice %arg6[%run_scoped3A_38, %dma_start3A_73, %dma_start3A_74] : memref<2x10x125xi32, #tpu.memory_space<vmem>> -> memref<1x10x125xi32, #tpu.memory_space<vmem>>
      %dma_start3A_76 = tpu.memref_squeeze %dma_start3A_75 : memref<1x10x125xi32, #tpu.memory_space<vmem>> -> memref<10x125xi32, #tpu.memory_space<vmem>>
      %dma_start3A_77 = arith.constant 0 : i32
      %dma_start3A_78 = arith.constant 0 : i32
      %dma_start3A_79 = tpu.memref_slice %arg3[%add3A, %run_scoped3A_37, %dma_start3A_77, %dma_start3A_78] : memref<32x8x10x125xi32, #tpu.memory_space<hbm>> -> memref<1x1x10x125xi32, #tpu.memory_space<hbm>>
      %dma_start3A_80 = tpu.memref_squeeze %dma_start3A_79 : memref<1x1x10x125xi32, #tpu.memory_space<hbm>> -> memref<10x125xi32, #tpu.memory_space<hbm>>
      tpu.enqueue_dma source(%dma_start3A_80 : memref<10x125xi32, #tpu.memory_space<hbm>>) target(%dma_start3A_76 : memref<10x125xi32, #tpu.memory_space<vmem>>) target_semaphore(%run_scoped3A_64 : memref<!tpu.dma_semaphore, #tpu.memory_space<semaphore_mem>>)
      %dma_wait3A = arith.constant 0 : i32
      %dma_wait3A_81 = arith.constant 0 : i32
      %dma_wait3A_82 = tpu.memref_slice %arg6[%run_scoped3A_38, %dma_wait3A, %dma_wait3A_81] : memref<2x10x125xi32, #tpu.memory_space<vmem>> -> memref<1x10x125xi32, #tpu.memory_space<vmem>>
      %dma_wait3A_83 = tpu.memref_squeeze %dma_wait3A_82 : memref<1x10x125xi32, #tpu.memory_space<vmem>> -> memref<10x125xi32, #tpu.memory_space<vmem>>
      %dma_wait3A_84 = arith.constant 0 : i32
      %dma_wait3A_85 = arith.constant 0 : i32
      %dma_wait3A_86 = tpu.memref_slice %arg3[%add3A, %run_scoped3A_37, %dma_wait3A_84, %dma_wait3A_85] : memref<32x8x10x125xi32, #tpu.memory_space<hbm>> -> memref<1x1x10x125xi32, #tpu.memory_space<hbm>>
      %dma_wait3A_87 = tpu.memref_squeeze %dma_wait3A_86 : memref<1x1x10x125xi32, #tpu.memory_space<hbm>> -> memref<10x125xi32, #tpu.memory_space<hbm>>
      %dma_wait3A_88 = arith.constant 0 : i32
      %dma_wait3A_89 = arith.constant 0 : i32
      %dma_wait3A_90 = tpu.memref_slice %arg6[%run_scoped3A_38, %dma_wait3A_88, %dma_wait3A_89] : memref<2x10x125xi32, #tpu.memory_space<vmem>> -> memref<1x10x125xi32, #tpu.memory_space<vmem>>
      %dma_wait3A_91 = tpu.memref_squeeze %dma_wait3A_90 : memref<1x10x125xi32, #tpu.memory_space<vmem>> -> memref<10x125xi32, #tpu.memory_space<vmem>>
      %dma_wait3A_92 = arith.constant 0 : i32
      %dma_wait3A_93 = arith.constant 0 : i32
      %dma_wait3A_94 = tpu.memref_slice %arg3[%add3A, %run_scoped3A_37, %dma_wait3A_92, %dma_wait3A_93] : memref<32x8x10x125xi32, #tpu.memory_space<hbm>> -> memref<1x1x10x125xi32, #tpu.memory_space<hbm>>
      %dma_wait3A_95 = tpu.memref_squeeze %dma_wait3A_94 : memref<1x1x10x125xi32, #tpu.memory_space<hbm>> -> memref<10x125xi32, #tpu.memory_space<hbm>>
      tpu.wait_dma2 semaphore(%run_scoped3A_64 : memref<!tpu.dma_semaphore, #tpu.memory_space<semaphore_mem>>) src(%dma_wait3A_95 : memref<10x125xi32, #tpu.memory_space<hbm>>) dst(%dma_wait3A_91 : memref<10x125xi32, #tpu.memory_space<vmem>>)
      tpu.yield
    }) : () -> ()
    %run_scoped3A_39 = arith.constant 0 : i32
    %run_scoped3A_40 = arith.constant 0 : i32
    "tpu.region"() ({
      %run_scoped3A_64 = tpu.sem_alloc : memref<!tpu.dma_semaphore, #tpu.memory_space<semaphore_mem>>
      %dma_start3A_65 = arith.constant 0 : i32
      %dma_start3A_66 = arith.constant 0 : i32
      %dma_start3A_67 = tpu.memref_slice %arg7[%run_scoped3A_40, %dma_start3A_65, %dma_start3A_66] : memref<2x10x125xi32, #tpu.memory_space<vmem>> -> memref<1x10x125xi32, #tpu.memory_space<vmem>>
      %dma_start3A_68 = tpu.memref_squeeze %dma_start3A_67 : memref<1x10x125xi32, #tpu.memory_space<vmem>> -> memref<10x125xi32, #tpu.memory_space<vmem>>
      %dma_start3A_69 = arith.constant 0 : i32
      %dma_start3A_70 = arith.constant 0 : i32
      %dma_start3A_71 = tpu.memref_slice %arg4[%add3A, %run_scoped3A_39, %dma_start3A_69, %dma_start3A_70] : memref<32x8x10x125xi32, #tpu.memory_space<hbm>> -> memref<1x1x10x125xi32, #tpu.memory_space<hbm>>
      %dma_start3A_72 = tpu.memref_squeeze %dma_start3A_71 : memref<1x1x10x125xi32, #tpu.memory_space<hbm>> -> memref<10x125xi32, #tpu.memory_space<hbm>>
      %dma_start3A_73 = arith.constant 0 : i32
      %dma_start3A_74 = arith.constant 0 : i32
      %dma_start3A_75 = tpu.memref_slice %arg7[%run_scoped3A_40, %dma_start3A_73, %dma_start3A_74] : memref<2x10x125xi32, #tpu.memory_space<vmem>> -> memref<1x10x125xi32, #tpu.memory_space<vmem>>
      %dma_start3A_76 = tpu.memref_squeeze %dma_start3A_75 : memref<1x10x125xi32, #tpu.memory_space<vmem>> -> memref<10x125xi32, #tpu.memory_space<vmem>>
      %dma_start3A_77 = arith.constant 0 : i32
      %dma_start3A_78 = arith.constant 0 : i32
      %dma_start3A_79 = tpu.memref_slice %arg4[%add3A, %run_scoped3A_39, %dma_start3A_77, %dma_start3A_78] : memref<32x8x10x125xi32, #tpu.memory_space<hbm>> -> memref<1x1x10x125xi32, #tpu.memory_space<hbm>>
      %dma_start3A_80 = tpu.memref_squeeze %dma_start3A_79 : memref<1x1x10x125xi32, #tpu.memory_space<hbm>> -> memref<10x125xi32, #tpu.memory_space<hbm>>
      tpu.enqueue_dma source(%dma_start3A_80 : memref<10x125xi32, #tpu.memory_space<hbm>>) target(%dma_start3A_76 : memref<10x125xi32, #tpu.memory_space<vmem>>) target_semaphore(%run_scoped3A_64 : memref<!tpu.dma_semaphore, #tpu.memory_space<semaphore_mem>>)
      %dma_wait3A = arith.constant 0 : i32
      %dma_wait3A_81 = arith.constant 0 : i32
      %dma_wait3A_82 = tpu.memref_slice %arg7[%run_scoped3A_40, %dma_wait3A, %dma_wait3A_81] : memref<2x10x125xi32, #tpu.memory_space<vmem>> -> memref<1x10x125xi32, #tpu.memory_space<vmem>>
      %dma_wait3A_83 = tpu.memref_squeeze %dma_wait3A_82 : memref<1x10x125xi32, #tpu.memory_space<vmem>> -> memref<10x125xi32, #tpu.memory_space<vmem>>
      %dma_wait3A_84 = arith.constant 0 : i32
      %dma_wait3A_85 = arith.constant 0 : i32
      %dma_wait3A_86 = tpu.memref_slice %arg4[%add3A, %run_scoped3A_39, %dma_wait3A_84, %dma_wait3A_85] : memref<32x8x10x125xi32, #tpu.memory_space<hbm>> -> memref<1x1x10x125xi32, #tpu.memory_space<hbm>>
      %dma_wait3A_87 = tpu.memref_squeeze %dma_wait3A_86 : memref<1x1x10x125xi32, #tpu.memory_space<hbm>> -> memref<10x125xi32, #tpu.memory_space<hbm>>
      %dma_wait3A_88 = arith.constant 0 : i32
      %dma_wait3A_89 = arith.constant 0 : i32
      %dma_wait3A_90 = tpu.memref_slice %arg7[%run_scoped3A_40, %dma_wait3A_88, %dma_wait3A_89] : memref<2x10x125xi32, #tpu.memory_space<vmem>> -> memref<1x10x125xi32, #tpu.memory_space<vmem>>
      %dma_wait3A_91 = tpu.memref_squeeze %dma_wait3A_90 : memref<1x10x125xi32, #tpu.memory_space<vmem>> -> memref<10x125xi32, #tpu.memory_space<vmem>>
      %dma_wait3A_92 = arith.constant 0 : i32
      %dma_wait3A_93 = arith.constant 0 : i32
      %dma_wait3A_94 = tpu.memref_slice %arg4[%add3A, %run_scoped3A_39, %dma_wait3A_92, %dma_wait3A_93] : memref<32x8x10x125xi32, #tpu.memory_space<hbm>> -> memref<1x1x10x125xi32, #tpu.memory_space<hbm>>
      %dma_wait3A_95 = tpu.memref_squeeze %dma_wait3A_94 : memref<1x1x10x125xi32, #tpu.memory_space<hbm>> -> memref<10x125xi32, #tpu.memory_space<hbm>>
      tpu.wait_dma2 semaphore(%run_scoped3A_64 : memref<!tpu.dma_semaphore, #tpu.memory_space<semaphore_mem>>) src(%dma_wait3A_95 : memref<10x125xi32, #tpu.memory_space<hbm>>) dst(%dma_wait3A_91 : memref<10x125xi32, #tpu.memory_space<vmem>>)
      tpu.yield
    }) : () -> ()
    %barrier3A = arith.constant 0 : index
    tpu.barrier barrier_id(%barrier3A)
    %dma_start3A = arith.constant 0 : i32
    %dma_start3A_41 = arith.constant 0 : i32
    %dma_start3A_42 = arith.constant 0 : i32
    %dma_start3A_43 = arith.constant 0 : i32
    %dma_start3A_44 = arith.constant 0 : i32
    %dma_start3A_45 = tpu.memref_slice %arg8[%dma_start3A_42, %dma_start3A_43, %dma_start3A_44] : memref<2x125x128xf32, #tpu.memory_space<vmem>> -> memref<1x125x128xf32, #tpu.memory_space<vmem>>
    %dma_start3A_46 = tpu.memref_squeeze %dma_start3A_45 : memref<1x125x128xf32, #tpu.memory_space<vmem>> -> memref<125x128xf32, #tpu.memory_space<vmem>>
    %dma_start3A_47 = arith.constant 0 : i32
    %dma_start3A_48 = tpu.memref_slice %arg6[%dma_start3A, %dma_start3A_41, %dma_start3A_47] : memref<2x10x125xi32, #tpu.memory_space<vmem>> -> memref<1x1x125xi32, #tpu.memory_space<vmem>>
    %dma_start3A_49 = tpu.memref_squeeze %dma_start3A_48 : memref<1x1x125xi32, #tpu.memory_space<vmem>> -> memref<125xi32, #tpu.memory_space<vmem>>
    %dma_start3A_50 = arith.constant 0 : i32
    %dma_start3A_51 = arith.constant 0 : i32
    %dma_start3A_52 = tpu.memref_slice %arg2[%dma_start3A_50, %dma_start3A_51] : memref<10000x128xf32, #tpu.memory_space<hbm>> -> memref<10000x128xf32, #tpu.memory_space<hbm>>
    tpu.enqueue_indirect_dma source(%dma_start3A_52 : memref<10000x128xf32, #tpu.memory_space<hbm>>) target(%dma_start3A_46 : memref<125x128xf32, #tpu.memory_space<vmem>>) offsets(%dma_start3A_49 : memref<125xi32, #tpu.memory_space<vmem>>) semaphore(%arg10 : memref<!tpu.dma_semaphore, #tpu.memory_space<semaphore_mem>>)
    %scan3A_53 = arith.constant 0 : i32
    %scan3A_54 = arith.constant 0 : i32
    %scan3A_55 = arith.constant 8 : i32
    %scan3A_56 = arith.addi %scan3A_54, %scan3A_55 : i32
    %scan3A_57 = arith.constant 1 : i32
    scf.for %scan3A_64 = %scan3A_54 to %scan3A_56 step %scan3A_57  : i32 {
      %jit3A = arith.constant 2 : i32
      %eq3A = arith.constant 0 : i32
      %eq3A_65 = arith.cmpi eq, %jit3A, %eq3A : i32
      %jit3A_66 = arith.constant 1 : i32
      %select_n3A = arith.select %eq3A_65, %jit3A_66, %jit3A : i32
      %rem3A = arith.remsi %scan3A_64, %select_n3A : i32
      %ne3A = arith.constant 0 : i32
      %ne3A_67 = arith.cmpi ne, %rem3A, %ne3A : i32
      %lt3A = arith.constant 0 : i32
      %lt3A_68 = arith.cmpi slt, %rem3A, %lt3A : i32
      %lt3A_69 = arith.constant 0 : i32
      %lt3A_70 = arith.cmpi slt, %select_n3A, %lt3A_69 : i32
      %ne3A_71 = arith.xori %lt3A_68, %lt3A_70 : i1
      %and3A = arith.andi %ne3A_71, %ne3A_67 : i1
      %add3A_72 = arith.addi %rem3A, %select_n3A : i32
      %select_n3A_73 = arith.select %and3A, %add3A_72, %rem3A : i32
      %add3A_74 = arith.constant 1 : i32
      %add3A_75 = arith.addi %scan3A_64, %add3A_74 : i32
      %jit3A_76 = arith.constant 2 : i32
      %eq3A_77 = arith.constant 0 : i32
      %eq3A_78 = arith.cmpi eq, %jit3A_76, %eq3A_77 : i32
      %jit3A_79 = arith.constant 1 : i32
      %select_n3A_80 = arith.select %eq3A_78, %jit3A_79, %jit3A_76 : i32
      %rem3A_81 = arith.remsi %add3A_75, %select_n3A_80 : i32
      %ne3A_82 = arith.constant 0 : i32
      %ne3A_83 = arith.cmpi ne, %rem3A_81, %ne3A_82 : i32
      %lt3A_84 = arith.constant 0 : i32
      %lt3A_85 = arith.cmpi slt, %rem3A_81, %lt3A_84 : i32
      %lt3A_86 = arith.constant 0 : i32
      %lt3A_87 = arith.cmpi slt, %select_n3A_80, %lt3A_86 : i32
      %ne3A_88 = arith.xori %lt3A_85, %lt3A_87 : i1
      %and3A_89 = arith.andi %ne3A_88, %ne3A_83 : i1
      %add3A_90 = arith.addi %rem3A_81, %select_n3A_80 : i32
      %select_n3A_91 = arith.select %and3A_89, %add3A_90, %rem3A_81 : i32
      %add3A_92 = arith.constant 1 : i32
      %add3A_93 = arith.addi %scan3A_64, %add3A_92 : i32
      %lt3A_94 = arith.constant 8 : i32
      %lt3A_95 = arith.cmpi slt, %add3A_93, %lt3A_94 : i32
      %convert_element_type3A = arith.extui %lt3A_95 : i1 to i32
      %cond3A = arith.constant 0 : i32
      %cond3A_96 = arith.cmpi ne, %convert_element_type3A, %cond3A : i32
      scf.if %cond3A_96 {
        %add3A_102 = arith.constant 1 : i32
        %add3A_103 = arith.addi %scan3A_64, %add3A_102 : i32
        "tpu.region"() ({
          %run_scoped3A_106 = tpu.sem_alloc : memref<!tpu.dma_semaphore, #tpu.memory_space<semaphore_mem>>
          %dma_start3A_107 = arith.constant 0 : i32
          %dma_start3A_108 = arith.constant 0 : i32
          %dma_start3A_109 = tpu.memref_slice %arg6[%select_n3A_91, %dma_start3A_107, %dma_start3A_108] : memref<2x10x125xi32, #tpu.memory_space<vmem>> -> memref<1x10x125xi32, #tpu.memory_space<vmem>>
          %dma_start3A_110 = tpu.memref_squeeze %dma_start3A_109 : memref<1x10x125xi32, #tpu.memory_space<vmem>> -> memref<10x125xi32, #tpu.memory_space<vmem>>
          %dma_start3A_111 = arith.constant 0 : i32
          %dma_start3A_112 = arith.constant 0 : i32
          %dma_start3A_113 = tpu.memref_slice %arg3[%add3A, %add3A_103, %dma_start3A_111, %dma_start3A_112] : memref<32x8x10x125xi32, #tpu.memory_space<hbm>> -> memref<1x1x10x125xi32, #tpu.memory_space<hbm>>
          %dma_start3A_114 = tpu.memref_squeeze %dma_start3A_113 : memref<1x1x10x125xi32, #tpu.memory_space<hbm>> -> memref<10x125xi32, #tpu.memory_space<hbm>>
          %dma_start3A_115 = arith.constant 0 : i32
          %dma_start3A_116 = arith.constant 0 : i32
          %dma_start3A_117 = tpu.memref_slice %arg6[%select_n3A_91, %dma_start3A_115, %dma_start3A_116] : memref<2x10x125xi32, #tpu.memory_space<vmem>> -> memref<1x10x125xi32, #tpu.memory_space<vmem>>
          %dma_start3A_118 = tpu.memref_squeeze %dma_start3A_117 : memref<1x10x125xi32, #tpu.memory_space<vmem>> -> memref<10x125xi32, #tpu.memory_space<vmem>>
          %dma_start3A_119 = arith.constant 0 : i32
          %dma_start3A_120 = arith.constant 0 : i32
          %dma_start3A_121 = tpu.memref_slice %arg3[%add3A, %add3A_103, %dma_start3A_119, %dma_start3A_120] : memref<32x8x10x125xi32, #tpu.memory_space<hbm>> -> memref<1x1x10x125xi32, #tpu.memory_space<hbm>>
          %dma_start3A_122 = tpu.memref_squeeze %dma_start3A_121 : memref<1x1x10x125xi32, #tpu.memory_space<hbm>> -> memref<10x125xi32, #tpu.memory_space<hbm>>
          tpu.enqueue_dma source(%dma_start3A_122 : memref<10x125xi32, #tpu.memory_space<hbm>>) target(%dma_start3A_118 : memref<10x125xi32, #tpu.memory_space<vmem>>) target_semaphore(%run_scoped3A_106 : memref<!tpu.dma_semaphore, #tpu.memory_space<semaphore_mem>>)
          %dma_wait3A = arith.constant 0 : i32
          %dma_wait3A_123 = arith.constant 0 : i32
          %dma_wait3A_124 = tpu.memref_slice %arg6[%select_n3A_91, %dma_wait3A, %dma_wait3A_123] : memref<2x10x125xi32, #tpu.memory_space<vmem>> -> memref<1x10x125xi32, #tpu.memory_space<vmem>>
          %dma_wait3A_125 = tpu.memref_squeeze %dma_wait3A_124 : memref<1x10x125xi32, #tpu.memory_space<vmem>> -> memref<10x125xi32, #tpu.memory_space<vmem>>
          %dma_wait3A_126 = arith.constant 0 : i32
          %dma_wait3A_127 = arith.constant 0 : i32
          %dma_wait3A_128 = tpu.memref_slice %arg3[%add3A, %add3A_103, %dma_wait3A_126, %dma_wait3A_127] : memref<32x8x10x125xi32, #tpu.memory_space<hbm>> -> memref<1x1x10x125xi32, #tpu.memory_space<hbm>>
          %dma_wait3A_129 = tpu.memref_squeeze %dma_wait3A_128 : memref<1x1x10x125xi32, #tpu.memory_space<hbm>> -> memref<10x125xi32, #tpu.memory_space<hbm>>
          %dma_wait3A_130 = arith.constant 0 : i32
          %dma_wait3A_131 = arith.constant 0 : i32
          %dma_wait3A_132 = tpu.memref_slice %arg6[%select_n3A_91, %dma_wait3A_130, %dma_wait3A_131] : memref<2x10x125xi32, #tpu.memory_space<vmem>> -> memref<1x10x125xi32, #tpu.memory_space<vmem>>
          %dma_wait3A_133 = tpu.memref_squeeze %dma_wait3A_132 : memref<1x10x125xi32, #tpu.memory_space<vmem>> -> memref<10x125xi32, #tpu.memory_space<vmem>>
          %dma_wait3A_134 = arith.constant 0 : i32
          %dma_wait3A_135 = arith.constant 0 : i32
          %dma_wait3A_136 = tpu.memref_slice %arg3[%add3A, %add3A_103, %dma_wait3A_134, %dma_wait3A_135] : memref<32x8x10x125xi32, #tpu.memory_space<hbm>> -> memref<1x1x10x125xi32, #tpu.memory_space<hbm>>
          %dma_wait3A_137 = tpu.memref_squeeze %dma_wait3A_136 : memref<1x1x10x125xi32, #tpu.memory_space<hbm>> -> memref<10x125xi32, #tpu.memory_space<hbm>>
          tpu.wait_dma2 semaphore(%run_scoped3A_106 : memref<!tpu.dma_semaphore, #tpu.memory_space<semaphore_mem>>) src(%dma_wait3A_137 : memref<10x125xi32, #tpu.memory_space<hbm>>) dst(%dma_wait3A_133 : memref<10x125xi32, #tpu.memory_space<vmem>>)
          tpu.yield
        }) : () -> ()
        %add3A_104 = arith.constant 1 : i32
        %add3A_105 = arith.addi %scan3A_64, %add3A_104 : i32
        "tpu.region"() ({
          %run_scoped3A_106 = tpu.sem_alloc : memref<!tpu.dma_semaphore, #tpu.memory_space<semaphore_mem>>
          %dma_start3A_107 = arith.constant 0 : i32
          %dma_start3A_108 = arith.constant 0 : i32
          %dma_start3A_109 = tpu.memref_slice %arg7[%select_n3A_91, %dma_start3A_107, %dma_start3A_108] : memref<2x10x125xi32, #tpu.memory_space<vmem>> -> memref<1x10x125xi32, #tpu.memory_space<vmem>>
          %dma_start3A_110 = tpu.memref_squeeze %dma_start3A_109 : memref<1x10x125xi32, #tpu.memory_space<vmem>> -> memref<10x125xi32, #tpu.memory_space<vmem>>
          %dma_start3A_111 = arith.constant 0 : i32
          %dma_start3A_112 = arith.constant 0 : i32
          %dma_start3A_113 = tpu.memref_slice %arg4[%add3A, %add3A_105, %dma_start3A_111, %dma_start3A_112] : memref<32x8x10x125xi32, #tpu.memory_space<hbm>> -> memref<1x1x10x125xi32, #tpu.memory_space<hbm>>
          %dma_start3A_114 = tpu.memref_squeeze %dma_start3A_113 : memref<1x1x10x125xi32, #tpu.memory_space<hbm>> -> memref<10x125xi32, #tpu.memory_space<hbm>>
          %dma_start3A_115 = arith.constant 0 : i32
          %dma_start3A_116 = arith.constant 0 : i32
          %dma_start3A_117 = tpu.memref_slice %arg7[%select_n3A_91, %dma_start3A_115, %dma_start3A_116] : memref<2x10x125xi32, #tpu.memory_space<vmem>> -> memref<1x10x125xi32, #tpu.memory_space<vmem>>
          %dma_start3A_118 = tpu.memref_squeeze %dma_start3A_117 : memref<1x10x125xi32, #tpu.memory_space<vmem>> -> memref<10x125xi32, #tpu.memory_space<vmem>>
          %dma_start3A_119 = arith.constant 0 : i32
          %dma_start3A_120 = arith.constant 0 : i32
          %dma_start3A_121 = tpu.memref_slice %arg4[%add3A, %add3A_105, %dma_start3A_119, %dma_start3A_120] : memref<32x8x10x125xi32, #tpu.memory_space<hbm>> -> memref<1x1x10x125xi32, #tpu.memory_space<hbm>>
          %dma_start3A_122 = tpu.memref_squeeze %dma_start3A_121 : memref<1x1x10x125xi32, #tpu.memory_space<hbm>> -> memref<10x125xi32, #tpu.memory_space<hbm>>
          tpu.enqueue_dma source(%dma_start3A_122 : memref<10x125xi32, #tpu.memory_space<hbm>>) target(%dma_start3A_118 : memref<10x125xi32, #tpu.memory_space<vmem>>) target_semaphore(%run_scoped3A_106 : memref<!tpu.dma_semaphore, #tpu.memory_space<semaphore_mem>>)
          %dma_wait3A = arith.constant 0 : i32
          %dma_wait3A_123 = arith.constant 0 : i32
          %dma_wait3A_124 = tpu.memref_slice %arg7[%select_n3A_91, %dma_wait3A, %dma_wait3A_123] : memref<2x10x125xi32, #tpu.memory_space<vmem>> -> memref<1x10x125xi32, #tpu.memory_space<vmem>>
          %dma_wait3A_125 = tpu.memref_squeeze %dma_wait3A_124 : memref<1x10x125xi32, #tpu.memory_space<vmem>> -> memref<10x125xi32, #tpu.memory_space<vmem>>
          %dma_wait3A_126 = arith.constant 0 : i32
          %dma_wait3A_127 = arith.constant 0 : i32
          %dma_wait3A_128 = tpu.memref_slice %arg4[%add3A, %add3A_105, %dma_wait3A_126, %dma_wait3A_127] : memref<32x8x10x125xi32, #tpu.memory_space<hbm>> -> memref<1x1x10x125xi32, #tpu.memory_space<hbm>>
          %dma_wait3A_129 = tpu.memref_squeeze %dma_wait3A_128 : memref<1x1x10x125xi32, #tpu.memory_space<hbm>> -> memref<10x125xi32, #tpu.memory_space<hbm>>
          %dma_wait3A_130 = arith.constant 0 : i32
          %dma_wait3A_131 = arith.constant 0 : i32
          %dma_wait3A_132 = tpu.memref_slice %arg7[%select_n3A_91, %dma_wait3A_130, %dma_wait3A_131] : memref<2x10x125xi32, #tpu.memory_space<vmem>> -> memref<1x10x125xi32, #tpu.memory_space<vmem>>
          %dma_wait3A_133 = tpu.memref_squeeze %dma_wait3A_132 : memref<1x10x125xi32, #tpu.memory_space<vmem>> -> memref<10x125xi32, #tpu.memory_space<vmem>>
          %dma_wait3A_134 = arith.constant 0 : i32
          %dma_wait3A_135 = arith.constant 0 : i32
          %dma_wait3A_136 = tpu.memref_slice %arg4[%add3A, %add3A_105, %dma_wait3A_134, %dma_wait3A_135] : memref<32x8x10x125xi32, #tpu.memory_space<hbm>> -> memref<1x1x10x125xi32, #tpu.memory_space<hbm>>
          %dma_wait3A_137 = tpu.memref_squeeze %dma_wait3A_136 : memref<1x1x10x125xi32, #tpu.memory_space<hbm>> -> memref<10x125xi32, #tpu.memory_space<hbm>>
          tpu.wait_dma2 semaphore(%run_scoped3A_106 : memref<!tpu.dma_semaphore, #tpu.memory_space<semaphore_mem>>) src(%dma_wait3A_137 : memref<10x125xi32, #tpu.memory_space<hbm>>) dst(%dma_wait3A_133 : memref<10x125xi32, #tpu.memory_space<vmem>>)
          tpu.yield
        }) : () -> ()
      } else {
      }
      %scan3A_97 = arith.constant 0 : i32
      %scan3A_98 = arith.constant 5 : i32
      %scan3A_99 = arith.addi %scan3A_97, %scan3A_98 : i32
      %scan3A_100 = arith.constant 1 : i32
      scf.for %scan3A_102 = %scan3A_97 to %scan3A_99 step %scan3A_100  : i32 {
        %mul3A_103 = arith.constant 2 : i32
        %mul3A_104 = arith.muli %mul3A_103, %scan3A_102 : i32
        %mul3A_105 = arith.constant 10 : i32
        %mul3A_106 = arith.muli %scan3A_64, %mul3A_105 : i32
        %add3A_107 = arith.addi %mul3A_106, %mul3A_104 : i32
        %add3A_108 = arith.constant 1 : i32
        %add3A_109 = arith.addi %mul3A_104, %add3A_108 : i32
        %dma_start3A_110 = arith.constant 1 : i32
        %dma_start3A_111 = arith.constant 0 : i32
        %dma_start3A_112 = arith.constant 0 : i32
        %dma_start3A_113 = tpu.memref_slice %arg8[%dma_start3A_110, %dma_start3A_111, %dma_start3A_112] : memref<2x125x128xf32, #tpu.memory_space<vmem>> -> memref<1x125x128xf32, #tpu.memory_space<vmem>>
        %dma_start3A_114 = tpu.memref_squeeze %dma_start3A_113 : memref<1x125x128xf32, #tpu.memory_space<vmem>> -> memref<125x128xf32, #tpu.memory_space<vmem>>
        %dma_start3A_115 = arith.constant 0 : i32
        %dma_start3A_116 = tpu.memref_slice %arg6[%select_n3A_73, %add3A_109, %dma_start3A_115] : memref<2x10x125xi32, #tpu.memory_space<vmem>> -> memref<1x1x125xi32, #tpu.memory_space<vmem>>
        %dma_start3A_117 = tpu.memref_squeeze %dma_start3A_116 : memref<1x1x125xi32, #tpu.memory_space<vmem>> -> memref<125xi32, #tpu.memory_space<vmem>>
        %dma_start3A_118 = arith.constant 0 : i32
        %dma_start3A_119 = arith.constant 0 : i32
        %dma_start3A_120 = tpu.memref_slice %arg2[%dma_start3A_118, %dma_start3A_119] : memref<10000x128xf32, #tpu.memory_space<hbm>> -> memref<10000x128xf32, #tpu.memory_space<hbm>>
        tpu.enqueue_indirect_dma source(%dma_start3A_120 : memref<10000x128xf32, #tpu.memory_space<hbm>>) target(%dma_start3A_114 : memref<125x128xf32, #tpu.memory_space<vmem>>) offsets(%dma_start3A_117 : memref<125xi32, #tpu.memory_space<vmem>>) semaphore(%arg11 : memref<!tpu.dma_semaphore, #tpu.memory_space<semaphore_mem>>)
        %dma_wait3A = arith.constant 0 : i32
        %dma_wait3A_121 = arith.constant 0 : i32
        %dma_wait3A_122 = arith.constant 0 : i32
        %dma_wait3A_123 = tpu.memref_slice %arg8[%dma_wait3A, %dma_wait3A_121, %dma_wait3A_122] : memref<2x125x128xf32, #tpu.memory_space<vmem>> -> memref<1x125x128xf32, #tpu.memory_space<vmem>>
        %dma_wait3A_124 = tpu.memref_squeeze %dma_wait3A_123 : memref<1x125x128xf32, #tpu.memory_space<vmem>> -> memref<125x128xf32, #tpu.memory_space<vmem>>
        %dma_wait3A_125 = arith.constant 0 : i32
        %dma_wait3A_126 = tpu.memref_slice %arg6[%select_n3A_73, %mul3A_104, %dma_wait3A_125] : memref<2x10x125xi32, #tpu.memory_space<vmem>> -> memref<1x1x125xi32, #tpu.memory_space<vmem>>
        %dma_wait3A_127 = tpu.memref_squeeze %dma_wait3A_126 : memref<1x1x125xi32, #tpu.memory_space<vmem>> -> memref<125xi32, #tpu.memory_space<vmem>>
        %dma_wait3A_128 = arith.constant 0 : i32
        %dma_wait3A_129 = arith.constant 0 : i32
        %dma_wait3A_130 = tpu.memref_slice %arg2[%dma_wait3A_128, %dma_wait3A_129] : memref<10000x128xf32, #tpu.memory_space<hbm>> -> memref<10000x128xf32, #tpu.memory_space<hbm>>
        tpu.wait_indirect_dma semaphore(%arg10 : memref<!tpu.dma_semaphore, #tpu.memory_space<semaphore_mem>>) src(%dma_wait3A_130 : memref<10000x128xf32, #tpu.memory_space<hbm>>) dst(%dma_wait3A_124 : memref<125x128xf32, #tpu.memory_space<vmem>>)
        %run_scoped3A_131 = arith.constant 0 : i32
        "tpu.region"() ({
          %run_scoped3A_155 = tpu.sem_alloc : memref<!tpu.dma_semaphore, #tpu.memory_space<semaphore_mem>>
          %dma_start3A_156 = arith.constant 0 : i32
          %dma_start3A_157 = arith.constant 0 : i32
          %dma_start3A_158 = tpu.memref_slice %arg8[%run_scoped3A_131, %dma_start3A_156, %dma_start3A_157] : memref<2x125x128xf32, #tpu.memory_space<vmem>> -> memref<1x125x128xf32, #tpu.memory_space<vmem>>
          %dma_start3A_159 = tpu.memref_squeeze %dma_start3A_158 : memref<1x125x128xf32, #tpu.memory_space<vmem>> -> memref<125x128xf32, #tpu.memory_space<vmem>>
          %dma_start3A_160 = arith.constant 0 : i32
          %dma_start3A_161 = tpu.memref_slice %arg7[%select_n3A_73, %mul3A_104, %dma_start3A_160] : memref<2x10x125xi32, #tpu.memory_space<vmem>> -> memref<1x1x125xi32, #tpu.memory_space<vmem>>
          %dma_start3A_162 = tpu.memref_squeeze %dma_start3A_161 : memref<1x1x125xi32, #tpu.memory_space<vmem>> -> memref<125xi32, #tpu.memory_space<vmem>>
          %dma_start3A_163 = arith.constant 0 : i32
          %dma_start3A_164 = arith.constant 0 : i32
          %dma_start3A_165 = tpu.memref_slice %arg9[%dma_start3A_163, %dma_start3A_164] : memref<10240x128xf32, #tpu.memory_space<vmem_shared>> -> memref<10240x128xf32, #tpu.memory_space<vmem_shared>>
          tpu.enqueue_indirect_dma source(%dma_start3A_159 : memref<125x128xf32, #tpu.memory_space<vmem>>) target(%dma_start3A_165 : memref<10240x128xf32, #tpu.memory_space<vmem_shared>>) offsets(%dma_start3A_162 : memref<125xi32, #tpu.memory_space<vmem>>) semaphore(%run_scoped3A_155 : memref<!tpu.dma_semaphore, #tpu.memory_space<semaphore_mem>>) {add = true}
          %dma_wait3A_166 = arith.constant 0 : i32
          %dma_wait3A_167 = arith.constant 0 : i32
          %dma_wait3A_168 = tpu.memref_slice %arg8[%run_scoped3A_131, %dma_wait3A_166, %dma_wait3A_167] : memref<2x125x128xf32, #tpu.memory_space<vmem>> -> memref<1x125x128xf32, #tpu.memory_space<vmem>>
          %dma_wait3A_169 = tpu.memref_squeeze %dma_wait3A_168 : memref<1x125x128xf32, #tpu.memory_space<vmem>> -> memref<125x128xf32, #tpu.memory_space<vmem>>
          %dma_wait3A_170 = arith.constant 0 : i32
          %dma_wait3A_171 = tpu.memref_slice %arg7[%select_n3A_73, %mul3A_104, %dma_wait3A_170] : memref<2x10x125xi32, #tpu.memory_space<vmem>> -> memref<1x1x125xi32, #tpu.memory_space<vmem>>
          %dma_wait3A_172 = tpu.memref_squeeze %dma_wait3A_171 : memref<1x1x125xi32, #tpu.memory_space<vmem>> -> memref<125xi32, #tpu.memory_space<vmem>>
          %dma_wait3A_173 = arith.constant 0 : i32
          %dma_wait3A_174 = arith.constant 0 : i32
          %dma_wait3A_175 = tpu.memref_slice %arg9[%dma_wait3A_173, %dma_wait3A_174] : memref<10240x128xf32, #tpu.memory_space<vmem_shared>> -> memref<10240x128xf32, #tpu.memory_space<vmem_shared>>
          tpu.wait_indirect_dma semaphore(%run_scoped3A_155 : memref<!tpu.dma_semaphore, #tpu.memory_space<semaphore_mem>>) src(%dma_wait3A_169 : memref<125x128xf32, #tpu.memory_space<vmem>>) dst(%dma_wait3A_175 : memref<10240x128xf32, #tpu.memory_space<vmem_shared>>)
          tpu.yield
        }) : () -> ()
        %add3A_132 = arith.constant 2 : i32
        %add3A_133 = arith.addi %add3A_107, %add3A_132 : i32
        %lt3A_134 = arith.constant 80 : i32
        %lt3A_135 = arith.cmpi slt, %add3A_133, %lt3A_134 : i32
        %convert_element_type3A_136 = arith.extui %lt3A_135 : i1 to i32
        %cond3A_137 = arith.constant 0 : i32
        %cond3A_138 = arith.cmpi ne, %convert_element_type3A_136, %cond3A_137 : i32
        scf.if %cond3A_138 {
          %add3A_155 = arith.constant 2 : i32
          %add3A_156 = arith.addi %mul3A_104, %add3A_155 : i32
          %eq3A_157 = arith.constant 10 : i32
          %eq3A_158 = arith.cmpi eq, %add3A_156, %eq3A_157 : i32
          %select_n3A_159 = arith.select %eq3A_158, %select_n3A_91, %select_n3A_73 : i32
          %add3A_160 = arith.constant 2 : i32
          %add3A_161 = arith.addi %mul3A_104, %add3A_160 : i32
          %jit3A_162 = arith.constant 10 : i32
          %eq3A_163 = arith.constant 0 : i32
          %eq3A_164 = arith.cmpi eq, %jit3A_162, %eq3A_163 : i32
          %jit3A_165 = arith.constant 1 : i32
          %select_n3A_166 = arith.select %eq3A_164, %jit3A_165, %jit3A_162 : i32
          %rem3A_167 = arith.remsi %add3A_161, %select_n3A_166 : i32
          %ne3A_168 = arith.constant 0 : i32
          %ne3A_169 = arith.cmpi ne, %rem3A_167, %ne3A_168 : i32
          %lt3A_170 = arith.constant 0 : i32
          %lt3A_171 = arith.cmpi slt, %rem3A_167, %lt3A_170 : i32
          %lt3A_172 = arith.constant 0 : i32
          %lt3A_173 = arith.cmpi slt, %select_n3A_166, %lt3A_172 : i32
          %ne3A_174 = arith.xori %lt3A_171, %lt3A_173 : i1
          %and3A_175 = arith.andi %ne3A_174, %ne3A_169 : i1
          %add3A_176 = arith.addi %rem3A_167, %select_n3A_166 : i32
          %select_n3A_177 = arith.select %and3A_175, %add3A_176, %rem3A_167 : i32
          %dma_start3A_178 = arith.constant 0 : i32
          %dma_start3A_179 = arith.constant 0 : i32
          %dma_start3A_180 = arith.constant 0 : i32
          %dma_start3A_181 = tpu.memref_slice %arg8[%dma_start3A_178, %dma_start3A_179, %dma_start3A_180] : memref<2x125x128xf32, #tpu.memory_space<vmem>> -> memref<1x125x128xf32, #tpu.memory_space<vmem>>
          %dma_start3A_182 = tpu.memref_squeeze %dma_start3A_181 : memref<1x125x128xf32, #tpu.memory_space<vmem>> -> memref<125x128xf32, #tpu.memory_space<vmem>>
          %dma_start3A_183 = arith.constant 0 : i32
          %dma_start3A_184 = tpu.memref_slice %arg6[%select_n3A_159, %select_n3A_177, %dma_start3A_183] : memref<2x10x125xi32, #tpu.memory_space<vmem>> -> memref<1x1x125xi32, #tpu.memory_space<vmem>>
          %dma_start3A_185 = tpu.memref_squeeze %dma_start3A_184 : memref<1x1x125xi32, #tpu.memory_space<vmem>> -> memref<125xi32, #tpu.memory_space<vmem>>
          %dma_start3A_186 = arith.constant 0 : i32
          %dma_start3A_187 = arith.constant 0 : i32
          %dma_start3A_188 = tpu.memref_slice %arg2[%dma_start3A_186, %dma_start3A_187] : memref<10000x128xf32, #tpu.memory_space<hbm>> -> memref<10000x128xf32, #tpu.memory_space<hbm>>
          tpu.enqueue_indirect_dma source(%dma_start3A_188 : memref<10000x128xf32, #tpu.memory_space<hbm>>) target(%dma_start3A_182 : memref<125x128xf32, #tpu.memory_space<vmem>>) offsets(%dma_start3A_185 : memref<125xi32, #tpu.memory_space<vmem>>) semaphore(%arg10 : memref<!tpu.dma_semaphore, #tpu.memory_space<semaphore_mem>>)
        } else {
        }
        %add3A_139 = arith.constant 1 : i32
        %add3A_140 = arith.addi %mul3A_104, %add3A_139 : i32
        %dma_wait3A_141 = arith.constant 1 : i32
        %dma_wait3A_142 = arith.constant 0 : i32
        %dma_wait3A_143 = arith.constant 0 : i32
        %dma_wait3A_144 = tpu.memref_slice %arg8[%dma_wait3A_141, %dma_wait3A_142, %dma_wait3A_143] : memref<2x125x128xf32, #tpu.memory_space<vmem>> -> memref<1x125x128xf32, #tpu.memory_space<vmem>>
        %dma_wait3A_145 = tpu.memref_squeeze %dma_wait3A_144 : memref<1x125x128xf32, #tpu.memory_space<vmem>> -> memref<125x128xf32, #tpu.memory_space<vmem>>
        %dma_wait3A_146 = arith.constant 0 : i32
        %dma_wait3A_147 = tpu.memref_slice %arg6[%select_n3A_73, %add3A_140, %dma_wait3A_146] : memref<2x10x125xi32, #tpu.memory_space<vmem>> -> memref<1x1x125xi32, #tpu.memory_space<vmem>>
        %dma_wait3A_148 = tpu.memref_squeeze %dma_wait3A_147 : memref<1x1x125xi32, #tpu.memory_space<vmem>> -> memref<125xi32, #tpu.memory_space<vmem>>
        %dma_wait3A_149 = arith.constant 0 : i32
        %dma_wait3A_150 = arith.constant 0 : i32
        %dma_wait3A_151 = tpu.memref_slice %arg2[%dma_wait3A_149, %dma_wait3A_150] : memref<10000x128xf32, #tpu.memory_space<hbm>> -> memref<10000x128xf32, #tpu.memory_space<hbm>>
        tpu.wait_indirect_dma semaphore(%arg11 : memref<!tpu.dma_semaphore, #tpu.memory_space<semaphore_mem>>) src(%dma_wait3A_151 : memref<10000x128xf32, #tpu.memory_space<hbm>>) dst(%dma_wait3A_145 : memref<125x128xf32, #tpu.memory_space<vmem>>)
        %add3A_152 = arith.constant 1 : i32
        %add3A_153 = arith.addi %mul3A_104, %add3A_152 : i32
        %run_scoped3A_154 = arith.constant 1 : i32
        "tpu.region"() ({
          %run_scoped3A_155 = tpu.sem_alloc : memref<!tpu.dma_semaphore, #tpu.memory_space<semaphore_mem>>
          %dma_start3A_156 = arith.constant 0 : i32
          %dma_start3A_157 = arith.constant 0 : i32
          %dma_start3A_158 = tpu.memref_slice %arg8[%run_scoped3A_154, %dma_start3A_156, %dma_start3A_157] : memref<2x125x128xf32, #tpu.memory_space<vmem>> -> memref<1x125x128xf32, #tpu.memory_space<vmem>>
          %dma_start3A_159 = tpu.memref_squeeze %dma_start3A_158 : memref<1x125x128xf32, #tpu.memory_space<vmem>> -> memref<125x128xf32, #tpu.memory_space<vmem>>
          %dma_start3A_160 = arith.constant 0 : i32
          %dma_start3A_161 = tpu.memref_slice %arg7[%select_n3A_73, %add3A_153, %dma_start3A_160] : memref<2x10x125xi32, #tpu.memory_space<vmem>> -> memref<1x1x125xi32, #tpu.memory_space<vmem>>
          %dma_start3A_162 = tpu.memref_squeeze %dma_start3A_161 : memref<1x1x125xi32, #tpu.memory_space<vmem>> -> memref<125xi32, #tpu.memory_space<vmem>>
          %dma_start3A_163 = arith.constant 0 : i32
          %dma_start3A_164 = arith.constant 0 : i32
          %dma_start3A_165 = tpu.memref_slice %arg9[%dma_start3A_163, %dma_start3A_164] : memref<10240x128xf32, #tpu.memory_space<vmem_shared>> -> memref<10240x128xf32, #tpu.memory_space<vmem_shared>>
          tpu.enqueue_indirect_dma source(%dma_start3A_159 : memref<125x128xf32, #tpu.memory_space<vmem>>) target(%dma_start3A_165 : memref<10240x128xf32, #tpu.memory_space<vmem_shared>>) offsets(%dma_start3A_162 : memref<125xi32, #tpu.memory_space<vmem>>) semaphore(%run_scoped3A_155 : memref<!tpu.dma_semaphore, #tpu.memory_space<semaphore_mem>>) {add = true}
          %dma_wait3A_166 = arith.constant 0 : i32
          %dma_wait3A_167 = arith.constant 0 : i32
          %dma_wait3A_168 = tpu.memref_slice %arg8[%run_scoped3A_154, %dma_wait3A_166, %dma_wait3A_167] : memref<2x125x128xf32, #tpu.memory_space<vmem>> -> memref<1x125x128xf32, #tpu.memory_space<vmem>>
          %dma_wait3A_169 = tpu.memref_squeeze %dma_wait3A_168 : memref<1x125x128xf32, #tpu.memory_space<vmem>> -> memref<125x128xf32, #tpu.memory_space<vmem>>
          %dma_wait3A_170 = arith.constant 0 : i32
          %dma_wait3A_171 = tpu.memref_slice %arg7[%select_n3A_73, %add3A_153, %dma_wait3A_170] : memref<2x10x125xi32, #tpu.memory_space<vmem>> -> memref<1x1x125xi32, #tpu.memory_space<vmem>>
          %dma_wait3A_172 = tpu.memref_squeeze %dma_wait3A_171 : memref<1x1x125xi32, #tpu.memory_space<vmem>> -> memref<125xi32, #tpu.memory_space<vmem>>
          %dma_wait3A_173 = arith.constant 0 : i32
          %dma_wait3A_174 = arith.constant 0 : i32
          %dma_wait3A_175 = tpu.memref_slice %arg9[%dma_wait3A_173, %dma_wait3A_174] : memref<10240x128xf32, #tpu.memory_space<vmem_shared>> -> memref<10240x128xf32, #tpu.memory_space<vmem_shared>>
          tpu.wait_indirect_dma semaphore(%run_scoped3A_155 : memref<!tpu.dma_semaphore, #tpu.memory_space<semaphore_mem>>) src(%dma_wait3A_169 : memref<125x128xf32, #tpu.memory_space<vmem>>) dst(%dma_wait3A_175 : memref<10240x128xf32, #tpu.memory_space<vmem_shared>>)
          tpu.yield
        }) : () -> ()
      }
      %scan3A_101 = arith.constant 5 : i32
    }
    %scan3A_58 = arith.constant 8 : i32
    %barrier3A_59 = arith.constant 0 : index
    tpu.barrier barrier_id(%barrier3A_59)
    %mul3A_60 = arith.constant 640 : i32
    %mul3A_61 = arith.muli %arg1, %mul3A_60 : i32
    %mul3A_62 = arith.constant 640 : i32
    %mul3A_63 = arith.muli %arg1, %mul3A_62 : i32
    "tpu.region"() ({
      %run_scoped3A_64 = tpu.sem_alloc : memref<!tpu.dma_semaphore, #tpu.memory_space<semaphore_mem>>
      %dma_start3A_65 = arith.constant 0 : i32
      %dma_start3A_66 = tpu.memref_slice %arg5[%arg0, %mul3A_63, %dma_start3A_65] : memref<2x10240x128xf32, #tpu.memory_space<hbm>> -> memref<1x640x128xf32, #tpu.memory_space<hbm>>
      %dma_start3A_67 = tpu.memref_squeeze %dma_start3A_66 : memref<1x640x128xf32, #tpu.memory_space<hbm>> -> memref<640x128xf32, #tpu.memory_space<hbm>>
      %dma_start3A_68 = arith.constant 0 : i32
      %dma_start3A_69 = tpu.memref_slice %arg9[%mul3A_61, %dma_start3A_68] : memref<10240x128xf32, #tpu.memory_space<vmem_shared>> -> memref<640x128xf32, #tpu.memory_space<vmem_shared>>
      tpu.enqueue_dma source(%dma_start3A_69 : memref<640x128xf32, #tpu.memory_space<vmem_shared>>) target(%dma_start3A_67 : memref<640x128xf32, #tpu.memory_space<hbm>>) target_semaphore(%run_scoped3A_64 : memref<!tpu.dma_semaphore, #tpu.memory_space<semaphore_mem>>)
      %dma_wait3A = arith.constant 0 : i32
      %dma_wait3A_70 = tpu.memref_slice %arg5[%arg0, %mul3A_63, %dma_wait3A] : memref<2x10240x128xf32, #tpu.memory_space<hbm>> -> memref<1x640x128xf32, #tpu.memory_space<hbm>>
      %dma_wait3A_71 = tpu.memref_squeeze %dma_wait3A_70 : memref<1x640x128xf32, #tpu.memory_space<hbm>> -> memref<640x128xf32, #tpu.memory_space<hbm>>
      %dma_wait3A_72 = arith.constant 0 : i32
      %dma_wait3A_73 = tpu.memref_slice %arg9[%mul3A_61, %dma_wait3A_72] : memref<10240x128xf32, #tpu.memory_space<vmem_shared>> -> memref<640x128xf32, #tpu.memory_space<vmem_shared>>
      tpu.wait_dma2 semaphore(%run_scoped3A_64 : memref<!tpu.dma_semaphore, #tpu.memory_space<semaphore_mem>>) src(%dma_wait3A_73 : memref<640x128xf32, #tpu.memory_space<vmem_shared>>) dst(%dma_wait3A_71 : memref<640x128xf32, #tpu.memory_space<hbm>>)
      tpu.yield
    }) : () -> ()
    return
  }
}

#map = affine_map<(d0, d1) -> (0, 0, 0)>
module attributes {stable_mosaic.version = 14 : i64} {
  func.func @k(%arg0: i32, %arg1: i32, %arg2: memref<32x625x16xi32, #tpu.memory_space<hbm>>, %arg3: memref<2x16x640xi32, #tpu.memory_space<hbm>>, %arg4: memref<625x16xi32, #tpu.memory_space<vmem>>, %arg5: memref<10240xi32, #tpu.memory_space<vmem>>, %arg6: memref<16x640xi32, #tpu.memory_space<vmem>>, %arg7: memref<640xi32, #tpu.memory_space<vmem>>, %arg8: memref<16x10240xi32, #tpu.memory_space<vmem_shared>>) attributes {dimension_semantics = [#tpu.dimension_semantics<core_parallel>, #tpu.dimension_semantics<subcore_parallel>], iteration_bounds = array<i64: 2, 16>, scalar_prefetch = 0 : i64, scratch_operands = 5 : i64, tpu.core_type = #tpu.core_type<sc_vector_subcore>, window_params = [{transform_indices = #map}, {transform_indices = #map}]} {
    %mul3A = arith.constant 16 : i32
    %mul3A_0 = arith.muli %arg0, %mul3A : i32
    %add3A = arith.addi %mul3A_0, %arg1 : i32
    "tpu.region"() ({
      %run_scoped3A = tpu.sem_alloc : memref<!tpu.dma_semaphore, #tpu.memory_space<semaphore_mem>>
      %dma_start3A = arith.constant 0 : i32
      %dma_start3A_21 = arith.constant 0 : i32
      %dma_start3A_22 = tpu.memref_slice %arg2[%add3A, %dma_start3A, %dma_start3A_21] : memref<32x625x16xi32, #tpu.memory_space<hbm>> -> memref<1x625x16xi32, #tpu.memory_space<hbm>>
      %dma_start3A_23 = tpu.memref_squeeze %dma_start3A_22 : memref<1x625x16xi32, #tpu.memory_space<hbm>> -> memref<625x16xi32, #tpu.memory_space<hbm>>
      %dma_start3A_24 = arith.constant 0 : i32
      %dma_start3A_25 = arith.constant 0 : i32
      %dma_start3A_26 = tpu.memref_slice %arg2[%add3A, %dma_start3A_24, %dma_start3A_25] : memref<32x625x16xi32, #tpu.memory_space<hbm>> -> memref<1x625x16xi32, #tpu.memory_space<hbm>>
      %dma_start3A_27 = tpu.memref_squeeze %dma_start3A_26 : memref<1x625x16xi32, #tpu.memory_space<hbm>> -> memref<625x16xi32, #tpu.memory_space<hbm>>
      tpu.enqueue_dma source(%dma_start3A_27 : memref<625x16xi32, #tpu.memory_space<hbm>>) target(%arg4 : memref<625x16xi32, #tpu.memory_space<vmem>>) target_semaphore(%run_scoped3A : memref<!tpu.dma_semaphore, #tpu.memory_space<semaphore_mem>>)
      %dma_wait3A = arith.constant 0 : i32
      %dma_wait3A_28 = arith.constant 0 : i32
      %dma_wait3A_29 = tpu.memref_slice %arg2[%add3A, %dma_wait3A, %dma_wait3A_28] : memref<32x625x16xi32, #tpu.memory_space<hbm>> -> memref<1x625x16xi32, #tpu.memory_space<hbm>>
      %dma_wait3A_30 = tpu.memref_squeeze %dma_wait3A_29 : memref<1x625x16xi32, #tpu.memory_space<hbm>> -> memref<625x16xi32, #tpu.memory_space<hbm>>
      %dma_wait3A_31 = arith.constant 0 : i32
      %dma_wait3A_32 = arith.constant 0 : i32
      %dma_wait3A_33 = tpu.memref_slice %arg2[%add3A, %dma_wait3A_31, %dma_wait3A_32] : memref<32x625x16xi32, #tpu.memory_space<hbm>> -> memref<1x625x16xi32, #tpu.memory_space<hbm>>
      %dma_wait3A_34 = tpu.memref_squeeze %dma_wait3A_33 : memref<1x625x16xi32, #tpu.memory_space<hbm>> -> memref<625x16xi32, #tpu.memory_space<hbm>>
      tpu.wait_dma2 semaphore(%run_scoped3A : memref<!tpu.dma_semaphore, #tpu.memory_space<semaphore_mem>>) src(%dma_wait3A_34 : memref<625x16xi32, #tpu.memory_space<hbm>>) dst(%arg4 : memref<625x16xi32, #tpu.memory_space<vmem>>)
      tpu.yield
    }) : () -> ()
    %broadcast_in_dim3A = arith.constant 0 : i32
    %broadcast_in_dim3A_1 = vector.broadcast %broadcast_in_dim3A : i32 to vector<16xi32>
    %scan3A = arith.constant 0 : i32
    %scan3A_2 = arith.constant 0 : i32
    %scan3A_3 = arith.constant 640 : i32
    %scan3A_4 = arith.addi %scan3A_2, %scan3A_3 : i32
    %scan3A_5 = arith.constant 1 : i32
    scf.for %scan3A_21 = %scan3A_2 to %scan3A_4 step %scan3A_5  : i32 {
      %mul3A_22 = arith.constant 16 : i32
      %mul3A_23 = arith.muli %scan3A_21, %mul3A_22 : i32
      %swap3A = arith.index_cast %mul3A_23 : i32 to index
      %swap3A_24 = tpu.vector_load %arg5[%swap3A] {strides = array<i32>} : memref<10240xi32, #tpu.memory_space<vmem>>, vector<16xi32>,
      tpu.vector_store %arg5[%swap3A], %broadcast_in_dim3A_1 {strides = array<i32>} : memref<10240xi32, #tpu.memory_space<vmem>>, vector<16xi32>,
    }
    %scan3A_6 = arith.constant 640 : i32
    %scan3A_7 = arith.constant 0 : i32
    %scan3A_8 = arith.constant 0 : i32
    %scan3A_9 = arith.constant 625 : i32
    %scan3A_10 = arith.addi %scan3A_8, %scan3A_9 : i32
    %scan3A_11 = arith.constant 1 : i32
    scf.for %scan3A_21 = %scan3A_8 to %scan3A_10 step %scan3A_11  : i32 {
      %get3A = arith.index_cast %scan3A_21 : i32 to index
      %get3A_22 = arith.constant 0 : index
      %get3A_23 = tpu.vector_load %arg4[%get3A, %get3A_22] {strides = array<i32>} : memref<625x16xi32, #tpu.memory_space<vmem>>, vector<16xi32>,
      %broadcast_in_dim3A_24 = arith.constant true
      %broadcast_in_dim3A_25 = vector.broadcast %broadcast_in_dim3A_24 : i1 to vector<16xi1>
      %unique3A, %unique3A_26 = tpu.scan_count mask(%broadcast_in_dim3A_25 : vector<16xi1>) value(%get3A_23 : vector<16xi32>) : vector<16xi1>, vector<16xi32>
      tpu.vector_store_idx %arg5[%get3A_23], %unique3A_26 masked %unique3A {add = true} : memref<10240xi32, #tpu.memory_space<vmem>>[vector<16xi32>], vector<16xi32>, vector<16xi1>
    }
    %scan3A_12 = arith.constant 625 : i32
    "tpu.region"() ({
      %run_scoped3A = tpu.sem_alloc : memref<!tpu.dma_semaphore, #tpu.memory_space<semaphore_mem>>
      %dma_start3A = arith.constant 0 : i32
      %dma_start3A_21 = tpu.memref_slice %arg8[%arg1, %dma_start3A] : memref<16x10240xi32, #tpu.memory_space<vmem_shared>> -> memref<1x10240xi32, #tpu.memory_space<vmem_shared>>
      %dma_start3A_22 = tpu.memref_squeeze %dma_start3A_21 : memref<1x10240xi32, #tpu.memory_space<vmem_shared>> -> memref<10240xi32, #tpu.memory_space<vmem_shared>>
      %dma_start3A_23 = arith.constant 0 : i32
      %dma_start3A_24 = tpu.memref_slice %arg8[%arg1, %dma_start3A_23] : memref<16x10240xi32, #tpu.memory_space<vmem_shared>> -> memref<1x10240xi32, #tpu.memory_space<vmem_shared>>
      %dma_start3A_25 = tpu.memref_squeeze %dma_start3A_24 : memref<1x10240xi32, #tpu.memory_space<vmem_shared>> -> memref<10240xi32, #tpu.memory_space<vmem_shared>>
      tpu.enqueue_dma source(%arg5 : memref<10240xi32, #tpu.memory_space<vmem>>) target(%dma_start3A_25 : memref<10240xi32, #tpu.memory_space<vmem_shared>>) target_semaphore(%run_scoped3A : memref<!tpu.dma_semaphore, #tpu.memory_space<semaphore_mem>>)
      %dma_wait3A = arith.constant 0 : i32
      %dma_wait3A_26 = tpu.memref_slice %arg8[%arg1, %dma_wait3A] : memref<16x10240xi32, #tpu.memory_space<vmem_shared>> -> memref<1x10240xi32, #tpu.memory_space<vmem_shared>>
      %dma_wait3A_27 = tpu.memref_squeeze %dma_wait3A_26 : memref<1x10240xi32, #tpu.memory_space<vmem_shared>> -> memref<10240xi32, #tpu.memory_space<vmem_shared>>
      %dma_wait3A_28 = arith.constant 0 : i32
      %dma_wait3A_29 = tpu.memref_slice %arg8[%arg1, %dma_wait3A_28] : memref<16x10240xi32, #tpu.memory_space<vmem_shared>> -> memref<1x10240xi32, #tpu.memory_space<vmem_shared>>
      %dma_wait3A_30 = tpu.memref_squeeze %dma_wait3A_29 : memref<1x10240xi32, #tpu.memory_space<vmem_shared>> -> memref<10240xi32, #tpu.memory_space<vmem_shared>>
      tpu.wait_dma2 semaphore(%run_scoped3A : memref<!tpu.dma_semaphore, #tpu.memory_space<semaphore_mem>>) src(%arg5 : memref<10240xi32, #tpu.memory_space<vmem>>) dst(%dma_wait3A_30 : memref<10240xi32, #tpu.memory_space<vmem_shared>>)
      tpu.yield
    }) : () -> ()
    %barrier3A = arith.constant 0 : index
    tpu.barrier barrier_id(%barrier3A)
    %mul3A_13 = arith.constant 640 : i32
    %mul3A_14 = arith.muli %arg1, %mul3A_13 : i32
    "tpu.region"() ({
      %run_scoped3A = tpu.sem_alloc : memref<!tpu.dma_semaphore, #tpu.memory_space<semaphore_mem>>
      %dma_start3A = arith.constant 0 : i32
      %dma_start3A_21 = tpu.memref_slice %arg8[%dma_start3A, %mul3A_14] : memref<16x10240xi32, #tpu.memory_space<vmem_shared>> -> memref<16x640xi32, #tpu.memory_space<vmem_shared>>
      %dma_start3A_22 = arith.constant 0 : i32
      %dma_start3A_23 = tpu.memref_slice %arg8[%dma_start3A_22, %mul3A_14] : memref<16x10240xi32, #tpu.memory_space<vmem_shared>> -> memref<16x640xi32, #tpu.memory_space<vmem_shared>>
      tpu.enqueue_dma source(%dma_start3A_23 : memref<16x640xi32, #tpu.memory_space<vmem_shared>>) target(%arg6 : memref<16x640xi32, #tpu.memory_space<vmem>>) target_semaphore(%run_scoped3A : memref<!tpu.dma_semaphore, #tpu.memory_space<semaphore_mem>>)
      %dma_wait3A = arith.constant 0 : i32
      %dma_wait3A_24 = tpu.memref_slice %arg8[%dma_wait3A, %mul3A_14] : memref<16x10240xi32, #tpu.memory_space<vmem_shared>> -> memref<16x640xi32, #tpu.memory_space<vmem_shared>>
      %dma_wait3A_25 = arith.constant 0 : i32
      %dma_wait3A_26 = tpu.memref_slice %arg8[%dma_wait3A_25, %mul3A_14] : memref<16x10240xi32, #tpu.memory_space<vmem_shared>> -> memref<16x640xi32, #tpu.memory_space<vmem_shared>>
      tpu.wait_dma2 semaphore(%run_scoped3A : memref<!tpu.dma_semaphore, #tpu.memory_space<semaphore_mem>>) src(%dma_wait3A_26 : memref<16x640xi32, #tpu.memory_space<vmem_shared>>) dst(%arg6 : memref<16x640xi32, #tpu.memory_space<vmem>>)
      tpu.yield
    }) : () -> ()
    %scan3A_15 = arith.constant 0 : i32
    %scan3A_16 = arith.constant 0 : i32
    %scan3A_17 = arith.constant 40 : i32
    %scan3A_18 = arith.addi %scan3A_16, %scan3A_17 : i32
    %scan3A_19 = arith.constant 1 : i32
    scf.for %scan3A_21 = %scan3A_16 to %scan3A_18 step %scan3A_19  : i32 {
      %mul3A_22 = arith.constant 16 : i32
      %mul3A_23 = arith.muli %scan3A_21, %mul3A_22 : i32
      %get3A = arith.constant 0 : i32
      %get3A_24 = arith.index_cast %get3A : i32 to index
      %get3A_25 = arith.index_cast %mul3A_23 : i32 to index
      %get3A_26 = tpu.vector_load %arg6[%get3A_24, %get3A_25] {strides = array<i32>} : memref<16x640xi32, #tpu.memory_space<vmem>>, vector<16xi32>,
      %mul3A_27 = arith.constant 16 : i32
      %mul3A_28 = arith.muli %scan3A_21, %mul3A_27 : i32
      %get3A_29 = arith.constant 1 : i32
      %get3A_30 = arith.index_cast %get3A_29 : i32 to index
      %get3A_31 = arith.index_cast %mul3A_28 : i32 to index
      %get3A_32 = tpu.vector_load %arg6[%get3A_30, %get3A_31] {strides = array<i32>} : memref<16x640xi32, #tpu.memory_space<vmem>>, vector<16xi32>,
      %add3A_33 = arith.addi %get3A_26, %get3A_32 : vector<16xi32>
      %mul3A_34 = arith.constant 16 : i32
      %mul3A_35 = arith.muli %scan3A_21, %mul3A_34 : i32
      %get3A_36 = arith.constant 2 : i32
      %get3A_37 = arith.index_cast %get3A_36 : i32 to index
      %get3A_38 = arith.index_cast %mul3A_35 : i32 to index
      %get3A_39 = tpu.vector_load %arg6[%get3A_37, %get3A_38] {strides = array<i32>} : memref<16x640xi32, #tpu.memory_space<vmem>>, vector<16xi32>,
      %add3A_40 = arith.addi %add3A_33, %get3A_39 : vector<16xi32>
      %mul3A_41 = arith.constant 16 : i32
      %mul3A_42 = arith.muli %scan3A_21, %mul3A_41 : i32
      %get3A_43 = arith.constant 3 : i32
      %get3A_44 = arith.index_cast %get3A_43 : i32 to index
      %get3A_45 = arith.index_cast %mul3A_42 : i32 to index
      %get3A_46 = tpu.vector_load %arg6[%get3A_44, %get3A_45] {strides = array<i32>} : memref<16x640xi32, #tpu.memory_space<vmem>>, vector<16xi32>,
      %add3A_47 = arith.addi %add3A_40, %get3A_46 : vector<16xi32>
      %mul3A_48 = arith.constant 16 : i32
      %mul3A_49 = arith.muli %scan3A_21, %mul3A_48 : i32
      %get3A_50 = arith.constant 4 : i32
      %get3A_51 = arith.index_cast %get3A_50 : i32 to index
      %get3A_52 = arith.index_cast %mul3A_49 : i32 to index
      %get3A_53 = tpu.vector_load %arg6[%get3A_51, %get3A_52] {strides = array<i32>} : memref<16x640xi32, #tpu.memory_space<vmem>>, vector<16xi32>,
      %add3A_54 = arith.addi %add3A_47, %get3A_53 : vector<16xi32>
      %mul3A_55 = arith.constant 16 : i32
      %mul3A_56 = arith.muli %scan3A_21, %mul3A_55 : i32
      %get3A_57 = arith.constant 5 : i32
      %get3A_58 = arith.index_cast %get3A_57 : i32 to index
      %get3A_59 = arith.index_cast %mul3A_56 : i32 to index
      %get3A_60 = tpu.vector_load %arg6[%get3A_58, %get3A_59] {strides = array<i32>} : memref<16x640xi32, #tpu.memory_space<vmem>>, vector<16xi32>,
      %add3A_61 = arith.addi %add3A_54, %get3A_60 : vector<16xi32>
      %mul3A_62 = arith.constant 16 : i32
      %mul3A_63 = arith.muli %scan3A_21, %mul3A_62 : i32
      %get3A_64 = arith.constant 6 : i32
      %get3A_65 = arith.index_cast %get3A_64 : i32 to index
      %get3A_66 = arith.index_cast %mul3A_63 : i32 to index
      %get3A_67 = tpu.vector_load %arg6[%get3A_65, %get3A_66] {strides = array<i32>} : memref<16x640xi32, #tpu.memory_space<vmem>>, vector<16xi32>,
      %add3A_68 = arith.addi %add3A_61, %get3A_67 : vector<16xi32>
      %mul3A_69 = arith.constant 16 : i32
      %mul3A_70 = arith.muli %scan3A_21, %mul3A_69 : i32
      %get3A_71 = arith.constant 7 : i32
      %get3A_72 = arith.index_cast %get3A_71 : i32 to index
      %get3A_73 = arith.index_cast %mul3A_70 : i32 to index
      %get3A_74 = tpu.vector_load %arg6[%get3A_72, %get3A_73] {strides = array<i32>} : memref<16x640xi32, #tpu.memory_space<vmem>>, vector<16xi32>,
      %add3A_75 = arith.addi %add3A_68, %get3A_74 : vector<16xi32>
      %mul3A_76 = arith.constant 16 : i32
      %mul3A_77 = arith.muli %scan3A_21, %mul3A_76 : i32
      %get3A_78 = arith.constant 8 : i32
      %get3A_79 = arith.index_cast %get3A_78 : i32 to index
      %get3A_80 = arith.index_cast %mul3A_77 : i32 to index
      %get3A_81 = tpu.vector_load %arg6[%get3A_79, %get3A_80] {strides = array<i32>} : memref<16x640xi32, #tpu.memory_space<vmem>>, vector<16xi32>,
      %add3A_82 = arith.addi %add3A_75, %get3A_81 : vector<16xi32>
      %mul3A_83 = arith.constant 16 : i32
      %mul3A_84 = arith.muli %scan3A_21, %mul3A_83 : i32
      %get3A_85 = arith.constant 9 : i32
      %get3A_86 = arith.index_cast %get3A_85 : i32 to index
      %get3A_87 = arith.index_cast %mul3A_84 : i32 to index
      %get3A_88 = tpu.vector_load %arg6[%get3A_86, %get3A_87] {strides = array<i32>} : memref<16x640xi32, #tpu.memory_space<vmem>>, vector<16xi32>,
      %add3A_89 = arith.addi %add3A_82, %get3A_88 : vector<16xi32>
      %mul3A_90 = arith.constant 16 : i32
      %mul3A_91 = arith.muli %scan3A_21, %mul3A_90 : i32
      %get3A_92 = arith.constant 10 : i32
      %get3A_93 = arith.index_cast %get3A_92 : i32 to index
      %get3A_94 = arith.index_cast %mul3A_91 : i32 to index
      %get3A_95 = tpu.vector_load %arg6[%get3A_93, %get3A_94] {strides = array<i32>} : memref<16x640xi32, #tpu.memory_space<vmem>>, vector<16xi32>,
      %add3A_96 = arith.addi %add3A_89, %get3A_95 : vector<16xi32>
      %mul3A_97 = arith.constant 16 : i32
      %mul3A_98 = arith.muli %scan3A_21, %mul3A_97 : i32
      %get3A_99 = arith.constant 11 : i32
      %get3A_100 = arith.index_cast %get3A_99 : i32 to index
      %get3A_101 = arith.index_cast %mul3A_98 : i32 to index
      %get3A_102 = tpu.vector_load %arg6[%get3A_100, %get3A_101] {strides = array<i32>} : memref<16x640xi32, #tpu.memory_space<vmem>>, vector<16xi32>,
      %add3A_103 = arith.addi %add3A_96, %get3A_102 : vector<16xi32>
      %mul3A_104 = arith.constant 16 : i32
      %mul3A_105 = arith.muli %scan3A_21, %mul3A_104 : i32
      %get3A_106 = arith.constant 12 : i32
      %get3A_107 = arith.index_cast %get3A_106 : i32 to index
      %get3A_108 = arith.index_cast %mul3A_105 : i32 to index
      %get3A_109 = tpu.vector_load %arg6[%get3A_107, %get3A_108] {strides = array<i32>} : memref<16x640xi32, #tpu.memory_space<vmem>>, vector<16xi32>,
      %add3A_110 = arith.addi %add3A_103, %get3A_109 : vector<16xi32>
      %mul3A_111 = arith.constant 16 : i32
      %mul3A_112 = arith.muli %scan3A_21, %mul3A_111 : i32
      %get3A_113 = arith.constant 13 : i32
      %get3A_114 = arith.index_cast %get3A_113 : i32 to index
      %get3A_115 = arith.index_cast %mul3A_112 : i32 to index
      %get3A_116 = tpu.vector_load %arg6[%get3A_114, %get3A_115] {strides = array<i32>} : memref<16x640xi32, #tpu.memory_space<vmem>>, vector<16xi32>,
      %add3A_117 = arith.addi %add3A_110, %get3A_116 : vector<16xi32>
      %mul3A_118 = arith.constant 16 : i32
      %mul3A_119 = arith.muli %scan3A_21, %mul3A_118 : i32
      %get3A_120 = arith.constant 14 : i32
      %get3A_121 = arith.index_cast %get3A_120 : i32 to index
      %get3A_122 = arith.index_cast %mul3A_119 : i32 to index
      %get3A_123 = tpu.vector_load %arg6[%get3A_121, %get3A_122] {strides = array<i32>} : memref<16x640xi32, #tpu.memory_space<vmem>>, vector<16xi32>,
      %add3A_124 = arith.addi %add3A_117, %get3A_123 : vector<16xi32>
      %mul3A_125 = arith.constant 16 : i32
      %mul3A_126 = arith.muli %scan3A_21, %mul3A_125 : i32
      %get3A_127 = arith.constant 15 : i32
      %get3A_128 = arith.index_cast %get3A_127 : i32 to index
      %get3A_129 = arith.index_cast %mul3A_126 : i32 to index
      %get3A_130 = tpu.vector_load %arg6[%get3A_128, %get3A_129] {strides = array<i32>} : memref<16x640xi32, #tpu.memory_space<vmem>>, vector<16xi32>,
      %add3A_131 = arith.addi %add3A_124, %get3A_130 : vector<16xi32>
      %mul3A_132 = arith.constant 16 : i32
      %mul3A_133 = arith.muli %scan3A_21, %mul3A_132 : i32
      %swap3A = arith.index_cast %mul3A_133 : i32 to index
      %swap3A_134 = tpu.vector_load %arg7[%swap3A] {strides = array<i32>} : memref<640xi32, #tpu.memory_space<vmem>>, vector<16xi32>,
      tpu.vector_store %arg7[%swap3A], %add3A_131 {strides = array<i32>} : memref<640xi32, #tpu.memory_space<vmem>>, vector<16xi32>,
    }
    %scan3A_20 = arith.constant 40 : i32
    "tpu.region"() ({
      %run_scoped3A = tpu.sem_alloc : memref<!tpu.dma_semaphore, #tpu.memory_space<semaphore_mem>>
      %dma_start3A = arith.constant 0 : i32
      %dma_start3A_21 = tpu.memref_slice %arg3[%arg0, %arg1, %dma_start3A] : memref<2x16x640xi32, #tpu.memory_space<hbm>> -> memref<1x1x640xi32, #tpu.memory_space<hbm>>
      %dma_start3A_22 = tpu.memref_squeeze %dma_start3A_21 : memref<1x1x640xi32, #tpu.memory_space<hbm>> -> memref<640xi32, #tpu.memory_space<hbm>>
      %dma_start3A_23 = arith.constant 0 : i32
      %dma_start3A_24 = tpu.memref_slice %arg3[%arg0, %arg1, %dma_start3A_23] : memref<2x16x640xi32, #tpu.memory_space<hbm>> -> memref<1x1x640xi32, #tpu.memory_space<hbm>>
      %dma_start3A_25 = tpu.memref_squeeze %dma_start3A_24 : memref<1x1x640xi32, #tpu.memory_space<hbm>> -> memref<640xi32, #tpu.memory_space<hbm>>
      tpu.enqueue_dma source(%arg7 : memref<640xi32, #tpu.memory_space<vmem>>) target(%dma_start3A_25 : memref<640xi32, #tpu.memory_space<hbm>>) target_semaphore(%run_scoped3A : memref<!tpu.dma_semaphore, #tpu.memory_space<semaphore_mem>>)
      %dma_wait3A = arith.constant 0 : i32
      %dma_wait3A_26 = tpu.memref_slice %arg3[%arg0, %arg1, %dma_wait3A] : memref<2x16x640xi32, #tpu.memory_space<hbm>> -> memref<1x1x640xi32, #tpu.memory_space<hbm>>
      %dma_wait3A_27 = tpu.memref_squeeze %dma_wait3A_26 : memref<1x1x640xi32, #tpu.memory_space<hbm>> -> memref<640xi32, #tpu.memory_space<hbm>>
      %dma_wait3A_28 = arith.constant 0 : i32
      %dma_wait3A_29 = tpu.memref_slice %arg3[%arg0, %arg1, %dma_wait3A_28] : memref<2x16x640xi32, #tpu.memory_space<hbm>> -> memref<1x1x640xi32, #tpu.memory_space<hbm>>
      %dma_wait3A_30 = tpu.memref_squeeze %dma_wait3A_29 : memref<1x1x640xi32, #tpu.memory_space<hbm>> -> memref<640xi32, #tpu.memory_space<hbm>>
      tpu.wait_dma2 semaphore(%run_scoped3A : memref<!tpu.dma_semaphore, #tpu.memory_space<semaphore_mem>>) src(%arg7 : memref<640xi32, #tpu.memory_space<vmem>>) dst(%dma_wait3A_30 : memref<640xi32, #tpu.memory_space<hbm>>)
      tpu.yield
    }) : () -> ()
    return
  }
}

module attributes {stable_mosaic.version = 14 : i64} {
  func.func @f(%arg0: i32, %arg1: memref<5000x128xf32, #tpu.memory_space<vmem>>, %arg2: memref<128x128xf32, #tpu.memory_space<vmem>>, %arg3: memref<1x128xf32, #tpu.memory_space<vmem>>, %arg4: memref<1x128xf32, #tpu.memory_space<vmem>>, %arg5: memref<1x5000x1xi32, #tpu.memory_space<vmem>>, %arg6: memref<1x5000x1xi32, #tpu.memory_space<vmem>>, %arg7: memref<5000x128xf32, #tpu.memory_space<vmem>>, %arg8: memref<5000x1xf32, #tpu.memory_space<vmem>>) attributes {dimension_semantics = [#tpu.dimension_semantics<arbitrary>], iteration_bounds = array<i64: 2>, scalar_prefetch = 0 : i64, scratch_operands = 0 : i64, tpu.core_type = #tpu.core_type<tc>, window_params = [{transform_indices = @transform_0, window_bounds = array<i64: 5000, 128>}, {pipeline_mode = #tpu.pipeline_mode<synchronous>, transform_indices = @transform_1, window_bounds = array<i64: 128, 128>}, {pipeline_mode = #tpu.pipeline_mode<synchronous>, transform_indices = @transform_2, window_bounds = array<i64: 1, 128>}, {pipeline_mode = #tpu.pipeline_mode<synchronous>, transform_indices = @transform_3, window_bounds = array<i64: 1, 128>}, {transform_indices = @transform_4, window_bounds = array<i64: 1, 5000, 1>}, {transform_indices = @transform_5, window_bounds = array<i64: 1, 5000, 1>}, {transform_indices = @transform_6, window_bounds = array<i64: 5000, 128>}, {transform_indices = @transform_7, window_bounds = array<i64: 5000, 1>}]} {
    %get3A = arith.constant 0 : index
    %get3A_0 = arith.constant 0 : index
    %get3A_1 = vector.load %arg3[%get3A, %get3A_0] : memref<1x128xf32, #tpu.memory_space<vmem>>, vector<1x128xf32>
    %get3A_2 = arith.constant 0 : index
    %get3A_3 = arith.constant 0 : index
    %get3A_4 = vector.load %arg4[%get3A_2, %get3A_3] : memref<1x128xf32, #tpu.memory_space<vmem>>, vector<1x128xf32>
    %add3A = arith.constant 9.99999974E-6 : f32
    %add3A_5 = vector.broadcast %add3A : f32 to vector<1x128xf32>
    %add3A_6 = arith.addf %get3A_4, %add3A_5 : vector<1x128xf32>
    %rsqrt3A = math.rsqrt %add3A_6 : vector<1x128xf32>
    %mul3A = arith.mulf %get3A_1, %rsqrt3A : vector<1x128xf32>
    %get3A_7 = arith.constant 0 : index
    %get3A_8 = arith.constant 0 : index
    %get3A_9 = vector.load %arg1[%get3A_7, %get3A_8] : memref<5000x128xf32, #tpu.memory_space<vmem>>, vector<5000x128xf32>
    %get3A_10 = arith.constant 0 : index
    %get3A_11 = arith.constant 0 : index
    %get3A_12 = vector.load %arg2[%get3A_10, %get3A_11] : memref<128x128xf32, #tpu.memory_space<vmem>>, vector<128x128xf32>
    %mul3A_13 = vector.broadcast %mul3A : vector<1x128xf32> to vector<128x128xf32>
    %mul3A_14 = arith.mulf %get3A_12, %mul3A_13 : vector<128x128xf32>
    %dot_general3A = arith.constant dense<0.000000e+00> : vector<5000x128xf32>
    %dot_general3A_15 = tpu.matmul %get3A_9, %mul3A_14, %dot_general3A {dimension_numbers = #tpu.dot_dimension_numbers<[1], [0], [0], [1], [0, 0, 1, 1], [], []>, transpose_lhs_hint = false} : vector<5000x128xf32>, vector<128x128xf32>, vector<5000x128xf32> -> vector<5000x128xf32>
    %get3A_16 = arith.constant 0 : index
    %get3A_17 = arith.constant 0 : index
    %get3A_18 = arith.constant 0 : index
    %get3A_19 = vector.load %arg5[%get3A_16, %get3A_17, %get3A_18] : memref<1x5000x1xi32, #tpu.memory_space<vmem>>, vector<1x5000x1xi32>
    %squeeze3A = vector.shape_cast %get3A_19 : vector<1x5000x1xi32> to vector<5000x1xi32>
    %get3A_20 = arith.constant 0 : index
    %get3A_21 = arith.constant 0 : index
    %get3A_22 = arith.constant 0 : index
    %get3A_23 = vector.load %arg6[%get3A_20, %get3A_21, %get3A_22] : memref<1x5000x1xi32, #tpu.memory_space<vmem>>, vector<1x5000x1xi32>
    %squeeze3A_24 = vector.shape_cast %get3A_23 : vector<1x5000x1xi32> to vector<5000x1xi32>
    %add3A_25 = arith.addi %squeeze3A, %squeeze3A_24 : vector<5000x1xi32>
    %convert_element_type3A = arith.sitofp %add3A_25 : vector<5000x1xi32> to vector<5000x1xf32>
    %add3A_26 = arith.constant 1.000000e+00 : f32
    %add3A_27 = vector.broadcast %add3A_26 : f32 to vector<5000x1xf32>
    %add3A_28 = arith.addf %convert_element_type3A, %add3A_27 : vector<5000x1xf32>
    %rsqrt3A_29 = math.rsqrt %add3A_28 : vector<5000x1xf32>
    %mul3A_30 = vector.broadcast %rsqrt3A_29 : vector<5000x1xf32> to vector<5000x128xf32>
    %mul3A_31 = arith.mulf %dot_general3A_15, %mul3A_30 : vector<5000x128xf32>
    %swap3A = arith.constant 0 : index
    %swap3A_32 = arith.constant 0 : index
    %swap3A_33 = vector.load %arg7[%swap3A, %swap3A_32] : memref<5000x128xf32, #tpu.memory_space<vmem>>, vector<5000x128xf32>
    tpu.vector_store %arg7[%swap3A, %swap3A_32], %mul3A_31 {strides = array<i32>} : memref<5000x128xf32, #tpu.memory_space<vmem>>, vector<5000x128xf32>,
    %swap3A_34 = arith.constant 0 : index
    %swap3A_35 = arith.constant 0 : index
    %swap3A_36 = vector.load %arg8[%swap3A_34, %swap3A_35] : memref<5000x1xf32, #tpu.memory_space<vmem>>, vector<5000x1xf32>
    tpu.vector_store %arg8[%swap3A_34, %swap3A_35], %rsqrt3A_29 {strides = array<i32>} : memref<5000x1xf32, #tpu.memory_space<vmem>>, vector<5000x1xf32>,
    return
  }
  func.func @transform_0(%arg0: i32) -> (i32, i32) {
    %c0_i32 = arith.constant 0 : i32
    %c0_i32_0 = arith.constant 0 : i32
    return %arg0, %c0_i32 : i32, i32
  }
  func.func @transform_1(%arg0: i32) -> (i32, i32) {
    %c0_i32 = arith.constant 0 : i32
    %c0_i32_0 = arith.constant 0 : i32
    %c0_i32_1 = arith.constant 0 : i32
    return %c0_i32, %c0_i32_0 : i32, i32
  }
  func.func @transform_2(%arg0: i32) -> (i32, i32) {
    %c0_i32 = arith.constant 0 : i32
    %c0_i32_0 = arith.constant 0 : i32
    %c0_i32_1 = arith.constant 0 : i32
    return %c0_i32, %c0_i32_0 : i32, i32
  }
  func.func @transform_3(%arg0: i32) -> (i32, i32) {
    %c0_i32 = arith.constant 0 : i32
    %c0_i32_0 = arith.constant 0 : i32
    %c0_i32_1 = arith.constant 0 : i32
    return %c0_i32, %c0_i32_0 : i32, i32
  }
  func.func @transform_4(%arg0: i32) -> (i32, i32, i32) {
    %c0_i32 = arith.constant 0 : i32
    %c0_i32_0 = arith.constant 0 : i32
    %c0_i32_1 = arith.constant 0 : i32
    return %c0_i32, %arg0, %c0_i32_0 : i32, i32, i32
  }
  func.func @transform_5(%arg0: i32) -> (i32, i32, i32) {
    %c1_i32 = arith.constant 1 : i32
    %c0_i32 = arith.constant 0 : i32
    %c0_i32_0 = arith.constant 0 : i32
    return %c1_i32, %arg0, %c0_i32 : i32, i32, i32
  }
  func.func @transform_6(%arg0: i32) -> (i32, i32) {
    %c0_i32 = arith.constant 0 : i32
    %c0_i32_0 = arith.constant 0 : i32
    return %arg0, %c0_i32 : i32, i32
  }
  func.func @transform_7(%arg0: i32) -> (i32, i32) {
    %c0_i32 = arith.constant 0 : i32
    %c0_i32_0 = arith.constant 0 : i32
    return %arg0, %c0_i32 : i32, i32
  }
}

module attributes {stable_mosaic.version = 14 : i64} {
  func.func @f(%arg0: i32, %arg1: memref<1x5000x128xf32, #tpu.memory_space<vmem>>, %arg2: memref<1x5000x128xf32, #tpu.memory_space<vmem>>, %arg3: memref<5000x128xf32, #tpu.memory_space<vmem>>, %arg4: memref<5000x1xf32, #tpu.memory_space<vmem>>, %arg5: memref<1x128xf32, #tpu.memory_space<vmem>>, %arg6: memref<1x128xf32, #tpu.memory_space<vmem>>, %arg7: memref<1x128xf32, #tpu.memory_space<vmem>>, %arg8: memref<1x128xf32, #tpu.memory_space<vmem>>, %arg9: memref<1x128xf32, #tpu.memory_space<vmem>>, %arg10: memref<5000x128xf32, #tpu.memory_space<vmem>>) attributes {dimension_semantics = [#tpu.dimension_semantics<arbitrary>], iteration_bounds = array<i64: 2>, scalar_prefetch = 0 : i64, scratch_operands = 0 : i64, tpu.core_type = #tpu.core_type<tc>, window_params = [{transform_indices = @transform_0, window_bounds = array<i64: 1, 5000, 128>}, {transform_indices = @transform_1, window_bounds = array<i64: 1, 5000, 128>}, {transform_indices = @transform_2, window_bounds = array<i64: 5000, 128>}, {transform_indices = @transform_3, window_bounds = array<i64: 5000, 1>}, {pipeline_mode = #tpu.pipeline_mode<synchronous>, transform_indices = @transform_4, window_bounds = array<i64: 1, 128>}, {pipeline_mode = #tpu.pipeline_mode<synchronous>, transform_indices = @transform_5, window_bounds = array<i64: 1, 128>}, {pipeline_mode = #tpu.pipeline_mode<synchronous>, transform_indices = @transform_6, window_bounds = array<i64: 1, 128>}, {pipeline_mode = #tpu.pipeline_mode<synchronous>, transform_indices = @transform_7, window_bounds = array<i64: 1, 128>}, {pipeline_mode = #tpu.pipeline_mode<synchronous>, transform_indices = @transform_8, window_bounds = array<i64: 1, 128>}, {transform_indices = @transform_9, window_bounds = array<i64: 5000, 128>}]} {
    %get3A = arith.constant 0 : index
    %get3A_0 = arith.constant 0 : index
    %get3A_1 = vector.load %arg8[%get3A, %get3A_0] : memref<1x128xf32, #tpu.memory_space<vmem>>, vector<1x128xf32>
    %get3A_2 = arith.constant 0 : index
    %get3A_3 = arith.constant 0 : index
    %get3A_4 = vector.load %arg9[%get3A_2, %get3A_3] : memref<1x128xf32, #tpu.memory_space<vmem>>, vector<1x128xf32>
    %add3A = arith.constant 9.99999974E-6 : f32
    %add3A_5 = vector.broadcast %add3A : f32 to vector<1x128xf32>
    %add3A_6 = arith.addf %get3A_4, %add3A_5 : vector<1x128xf32>
    %rsqrt3A = math.rsqrt %add3A_6 : vector<1x128xf32>
    %mul3A = arith.mulf %get3A_1, %rsqrt3A : vector<1x128xf32>
    %get3A_7 = arith.constant 0 : index
    %get3A_8 = arith.constant 0 : index
    %get3A_9 = vector.load %arg5[%get3A_7, %get3A_8] : memref<1x128xf32, #tpu.memory_space<vmem>>, vector<1x128xf32>
    %get3A_10 = arith.constant 0 : index
    %get3A_11 = arith.constant 0 : index
    %get3A_12 = vector.load %arg6[%get3A_10, %get3A_11] : memref<1x128xf32, #tpu.memory_space<vmem>>, vector<1x128xf32>
    %sub3A = arith.subf %get3A_9, %get3A_12 : vector<1x128xf32>
    %mul3A_13 = arith.mulf %sub3A, %mul3A : vector<1x128xf32>
    %get3A_14 = arith.constant 0 : index
    %get3A_15 = arith.constant 0 : index
    %get3A_16 = vector.load %arg7[%get3A_14, %get3A_15] : memref<1x128xf32, #tpu.memory_space<vmem>>, vector<1x128xf32>
    %add3A_17 = arith.addf %mul3A_13, %get3A_16 : vector<1x128xf32>
    %get3A_18 = arith.constant 0 : index
    %get3A_19 = arith.constant 0 : index
    %get3A_20 = arith.constant 0 : index
    %get3A_21 = vector.load %arg1[%get3A_18, %get3A_19, %get3A_20] : memref<1x5000x128xf32, #tpu.memory_space<vmem>>, vector<1x5000x128xf32>
    %squeeze3A = vector.shape_cast %get3A_21 : vector<1x5000x128xf32> to vector<5000x128xf32>
    %get3A_22 = arith.constant 0 : index
    %get3A_23 = arith.constant 0 : index
    %get3A_24 = arith.constant 0 : index
    %get3A_25 = vector.load %arg2[%get3A_22, %get3A_23, %get3A_24] : memref<1x5000x128xf32, #tpu.memory_space<vmem>>, vector<1x5000x128xf32>
    %squeeze3A_26 = vector.shape_cast %get3A_25 : vector<1x5000x128xf32> to vector<5000x128xf32>
    %add3A_27 = arith.addf %squeeze3A, %squeeze3A_26 : vector<5000x128xf32>
    %get3A_28 = arith.constant 0 : index
    %get3A_29 = arith.constant 0 : index
    %get3A_30 = vector.load %arg3[%get3A_28, %get3A_29] : memref<5000x128xf32, #tpu.memory_space<vmem>>, vector<5000x128xf32>
    %add3A_31 = arith.addf %add3A_27, %get3A_30 : vector<5000x128xf32>
    %get3A_32 = arith.constant 0 : index
    %get3A_33 = arith.constant 0 : index
    %get3A_34 = vector.load %arg4[%get3A_32, %get3A_33] : memref<5000x1xf32, #tpu.memory_space<vmem>>, vector<5000x1xf32>
    %mul3A_35 = vector.broadcast %get3A_34 : vector<5000x1xf32> to vector<5000x128xf32>
    %mul3A_36 = arith.mulf %add3A_31, %mul3A_35 : vector<5000x128xf32>
    %add3A_37 = vector.broadcast %add3A_17 : vector<1x128xf32> to vector<5000x128xf32>
    %add3A_38 = arith.addf %mul3A_36, %add3A_37 : vector<5000x128xf32>
    %max3A = arith.constant 0.000000e+00 : f32
    %max3A_39 = vector.broadcast %max3A : f32 to vector<5000x128xf32>
    %max3A_40 = arith.maximumf %add3A_38, %max3A_39 : vector<5000x128xf32>
    %swap3A = arith.constant 0 : index
    %swap3A_41 = arith.constant 0 : index
    %swap3A_42 = vector.load %arg10[%swap3A, %swap3A_41] : memref<5000x128xf32, #tpu.memory_space<vmem>>, vector<5000x128xf32>
    tpu.vector_store %arg10[%swap3A, %swap3A_41], %max3A_40 {strides = array<i32>} : memref<5000x128xf32, #tpu.memory_space<vmem>>, vector<5000x128xf32>,
    return
  }
  func.func @transform_0(%arg0: i32) -> (i32, i32, i32) {
    %c0_i32 = arith.constant 0 : i32
    %c0_i32_0 = arith.constant 0 : i32
    %c0_i32_1 = arith.constant 0 : i32
    return %c0_i32, %arg0, %c0_i32_0 : i32, i32, i32
  }
  func.func @transform_1(%arg0: i32) -> (i32, i32, i32) {
    %c1_i32 = arith.constant 1 : i32
    %c0_i32 = arith.constant 0 : i32
    %c0_i32_0 = arith.constant 0 : i32
    return %c1_i32, %arg0, %c0_i32 : i32, i32, i32
  }
  func.func @transform_2(%arg0: i32) -> (i32, i32) {
    %c0_i32 = arith.constant 0 : i32
    %c0_i32_0 = arith.constant 0 : i32
    return %arg0, %c0_i32 : i32, i32
  }
  func.func @transform_3(%arg0: i32) -> (i32, i32) {
    %c0_i32 = arith.constant 0 : i32
    %c0_i32_0 = arith.constant 0 : i32
    return %arg0, %c0_i32 : i32, i32
  }
  func.func @transform_4(%arg0: i32) -> (i32, i32) {
    %c0_i32 = arith.constant 0 : i32
    %c0_i32_0 = arith.constant 0 : i32
    %c0_i32_1 = arith.constant 0 : i32
    return %c0_i32, %c0_i32_0 : i32, i32
  }
  func.func @transform_5(%arg0: i32) -> (i32, i32) {
    %c0_i32 = arith.constant 0 : i32
    %c0_i32_0 = arith.constant 0 : i32
    %c0_i32_1 = arith.constant 0 : i32
    return %c0_i32, %c0_i32_0 : i32, i32
  }
  func.func @transform_6(%arg0: i32) -> (i32, i32) {
    %c0_i32 = arith.constant 0 : i32
    %c0_i32_0 = arith.constant 0 : i32
    %c0_i32_1 = arith.constant 0 : i32
    return %c0_i32, %c0_i32_0 : i32, i32
  }
  func.func @transform_7(%arg0: i32) -> (i32, i32) {
    %c0_i32 = arith.constant 0 : i32
    %c0_i32_0 = arith.constant 0 : i32
    %c0_i32_1 = arith.constant 0 : i32
    return %c0_i32, %c0_i32_0 : i32, i32
  }
  func.func @transform_8(%arg0: i32) -> (i32, i32) {
    %c0_i32 = arith.constant 0 : i32
    %c0_i32_0 = arith.constant 0 : i32
    %c0_i32_1 = arith.constant 0 : i32
    return %c0_i32, %c0_i32_0 : i32, i32
  }
  func.func @transform_9(%arg0: i32) -> (i32, i32) {
    %c0_i32 = arith.constant 0 : i32
    %c0_i32_0 = arith.constant 0 : i32
    return %arg0, %c0_i32 : i32, i32
  }
}

</mosaic_0001>

<sc_bundles>
// kernel: kernel.6.cloned.1.call-start
scs
__scs_entry_jumppad:
0x0: {  	(pc) =	sbr.rel $0x88, $3  }
0x1: {  	(tag) =	ssettag $0x0;
	lr =	simm.s32 $0x1  }
0x2: {  	[smem:$0x3F99] =	sst lr;
	_ =	strace $0xD0000000  }
0x3: {  	_ = 	snop  }
0x4: {  	_ = 	snop  }
0x5: {  	_ = 	snop  }
0x6: {  	_ = 	snop  }
0x7: {  	_ = 	snop  }
__scs_overlays_trampoline_lowered:
0x8: {  	[smem:$0x3FA8] =	sst s0  }
0x9: {  	[smem:$0x3FA9] =	sst s1  }
0xa: {  	[smem:$0x3FAA] =	sst s2  }
0xb: {  	[smem:$0x3FAB] =	sst s3  }
0xc: {  	[smem:$0x3FAC] =	sst s4  }
0xd: {  	[smem:$0x3FAD] =	sst s5  }
0xe: {  	[smem:$0x3FAE] =	sst s6  }
0xf: {  	[smem:$0x3FAF] =	sst s7  }
0x10: {  	[smem:$0x3FB0] =	sst s8  }
0x11: {  	[smem:$0x3FB1] =	sst s9;
	s0 =	simm.s32 @!p0 $0x0  }
0x12: {  	s1 =	sld [smem:$0x3F97];
	s0 =	simm.s32 @p0 $0x1  }
0x13: {  	[smem:$0x3FB2] =	sst s0;
	s0 =	simm.s32 @!p1 $0x0  }
0x14: {  	s2 =	sld [smem:$0x3F96];
	s0 =	simm.s32 @p1 $0x1  }
0x15: {  	[smem:$0x3FB3] =	sst s0;
	s0 =	simm.s32 @!p2 $0x0  }
0x16: {  	s3 =	sld [smem:$0x3FDB];
	s0 =	simm.s32 @p2 $0x1  }
0x17: {  	s4 =	simm.s32 $0x1BF5;
	[smem:$0x3FB5] =	sst s0  }
0x18: {  	s0 =	sld [smem:$0x3F98];
	_ =	swait.ge [sflag:s4], $0x0  }
0x19: {  	s7 =	sld [smem:$0x3F99]  }
0x1a: {  	s8 =	sadd.s32 $0xFFFFE003, lr  }
0x1b: {  	s9 =	sadd.s32 $0xFFFFFEF7, lr;
	s5 =	simm.s32 $0xFFFFFFFF;
	p2 =	slt.u32 s8, $0xFFFFF086  }
0x1c: {  	p1 =	slt.u32 s9, $0xF7A;
	s5 =	simm.s32 @!p2 $0x0  }
0x1d: {  	s5 =	simm.s32 @p1 $0x1;
	p0 =	seq.s32 s7, s2  }
0x1e: {  	s7 =	smul.u32 @!p0 $0xF7A, s2;
	p2 =	seq.s32 @!p0 s5, $0x0  }
0x1f: {  	s9 =	smul.u32 $0xF7A, s1;
	s8 =	simm.s32 @!p0 $0x1BF5;
	p2 =	por !p2, p0  }
0x20: {  	[sflag:s8] =	ssyncset.s32 @!p0 $0xFFFFF086;
	s6 =	sadd.s32 @!p0 s3, s7;
	s7 =	simm.s32 @!p0 $0x108  }
0x21: {  	s3 =	sadd.s32 s3, s9;
	s6 =	sadd.s32 @!p0 $0x88, s6;
	s7 =	simm.s32 @p2 $0x1082  }
0x22: {  	[simem:s7], [sflag:s8] =	dma.local @!p0 [hbm:s6], $0xF7A  }
0x23: {  	s9 =	sor.u32 $0xD0000000, s2;
	s6 =	simm.s32 $0x108;
	_ =	swait.ge @!p0 [sflag:s8], $0x0  }
0x24: {  	s3 =	sadd.s32 $0x88, s3;
	s6 =	simm.s32 @!p1 $0x1082;
	[sflag:s4] =	ssyncset.s32 $0xFFFFF086  }
0x25: {  	[simem:s6], [sflag:s4] =	dma.local [hbm:s3], $0xF7A  }
0x26: {  	[smem:$0x3F99] =	sst s1;
	(tag) =	ssettag s2;
	_ =	strace s9  }
0x27: {  	s1 =	sld [smem:$0x3FA9]  }
0x28: {  	s2 =	sld [smem:$0x3FAA]  }
0x29: {  	s4 =	sld [smem:$0x3FAC]  }
0x2a: {  	p0 =	seq.s32 s5, $0x0;
	s5 =	sld [smem:$0x3FAD]  }
0x2b: {  	s6 =	sld [smem:$0x3FAE]  }
0x2c: {  	s7 =	sld [smem:$0x3FAF]  }
0x2d: {  	s3 =	simm.s32 $0x108;
	s8 =	sld [smem:$0x3FB0]  }
0x2e: {  	s3 =	simm.s32 @!p0 $0x1082;
	s9 =	sld [smem:$0x3FB1]  }
0x2f: {  	lr =	sadd.s32 s0, s3;
	s0 =	sld [smem:$0x3FA8]  }
0x30: {  	s3 =	sld [smem:$0x3FAB]  }
0x31: {  	[smem:$0x3FB4] =	sst s10  }
0x32: {  	s10 =	sld [smem:$0x3FB2];
	_ =	sdelay $0x3  }
0x33: {  	p0 =	seq.s32 s10, $0x1;
	s10 =	sld [smem:$0x3FB4];
	_ =	sdelay $0x3  }
0x34: {  	[smem:$0x3FB4] =	sst s10  }
0x35: {  	s10 =	sld [smem:$0x3FB3];
	_ =	sdelay $0x3  }
0x36: {  	p1 =	seq.s32 s10, $0x1;
	s10 =	sld [smem:$0x3FB4];
	_ =	sdelay $0x3  }
0x37: {  	[smem:$0x3FB4] =	sst s10  }
0x38: {  	s10 =	sld [smem:$0x3FB5]  }
0x39: {  	_ = 	snop;
	(pc) =	sbr.ind lr, $3  }
0x3a: {  	_ = 	snop  }
0x3b: {  	_ = 	snop  }
0x3c: {  	p2 =	seq.s32 s10, $0x1;
	s10 =	sld [smem:$0x3FB4]  }
0x3d: {  	_ =	shalt  }
0x3e: {  	_ =	shalt  }
0x3f: {  	_ =	shalt  }
0x40: {  	_ =	shalt  }
0x41: {  	_ =	shalt  }
0x42: {  	_ =	shalt  }
0x43: {  	_ =	shalt  }
0x44: {  	_ =	shalt  }
0x45: {  	_ =	shalt  }
0x46: {  	_ =	shalt  }
0x47: {  	_ =	shalt  }
0x48: {  	_ =	shalt  }
0x49: {  	_ =	shalt  }
0x4a: {  	_ =	shalt  }
0x4b: {  	_ =	shalt  }
0x4c: {  	_ =	shalt  }
0x4d: {  	_ =	shalt  }
0x4e: {  	_ =	shalt  }
0x4f: {  	_ =	shalt  }
0x50: {  	_ =	shalt  }
0x51: {  	_ =	shalt  }
0x52: {  	_ =	shalt  }
0x53: {  	_ =	shalt  }
0x54: {  	_ =	shalt  }
0x55: {  	_ =	shalt  }
0x56: {  	_ =	shalt  }
0x57: {  	_ =	shalt  }
0x58: {  	_ =	shalt  }
0x59: {  	_ =	shalt  }
0x5a: {  	_ =	shalt  }
0x5b: {  	_ =	shalt  }
0x5c: {  	_ =	shalt  }
0x5d: {  	_ =	shalt  }
0x5e: {  	_ =	shalt  }
0x5f: {  	_ =	shalt  }
0x60: {  	_ =	shalt  }
0x61: {  	_ =	shalt  }
0x62: {  	_ =	shalt  }
0x63: {  	_ =	shalt  }
0x64: {  	_ =	shalt  }
0x65: {  	_ =	shalt  }
0x66: {  	_ =	shalt  }
0x67: {  	_ =	shalt  }
0x68: {  	_ =	shalt  }
0x69: {  	_ =	shalt  }
0x6a: {  	_ =	shalt  }
0x6b: {  	_ =	shalt  }
0x6c: {  	_ =	shalt  }
0x6d: {  	_ =	shalt  }
0x6e: {  	_ =	shalt  }
0x6f: {  	_ =	shalt  }
0x70: {  	_ =	shalt  }
0x71: {  	_ =	shalt  }
0x72: {  	_ =	shalt  }
0x73: {  	_ =	shalt  }
0x74: {  	_ =	shalt  }
0x75: {  	_ =	shalt  }
0x76: {  	_ =	shalt  }
0x77: {  	_ =	shalt  }
0x78: {  	_ =	shalt  }
0x79: {  	_ =	shalt  }
0x7a: {  	_ =	shalt  }
0x7b: {  	_ =	shalt  }
0x7c: {  	_ =	shalt  }
0x7d: {  	_ =	shalt  }
0x7e: {  	_ =	shalt  }
0x7f: {  	_ =	shalt  }
0x80: {  	_ =	shalt  }
0x81: {  	_ =	shalt  }
0x82: {  	_ =	shalt  }
0x83: {  	_ =	shalt  }
0x84: {  	_ =	shalt  }
0x85: {  	_ =	shalt  }
0x86: {  	_ =	shalt  }
0x87: {  	_ =	shalt  }
.Lfunc_end0:
.L_simem_size_0:
called_computation_lowered:
.L_overlay_start_0:
0x88: {  	s2 =	sld [smem:$0x3FD9]  }
0x89: {  	s3 =	sld [smem:$0x3FFE];
	_ =	sdelay $0x1  }
0x8a: {  	s1 =	srdreg.scid  }
0x8b: {  	s0 =	sand.u32 $0x1, s1  }
0x8c: {  	s17 =	sshll.u32 s0, $0xA;
	s2 =	sadd.s32 s3, s2  }
0x8d: {  	s2 =	sadd.s32 s2, s17  }
0x8e: {  	[smem:$0x3FC0] =	sst s2  }
0x8f: {  	_ = 	snop  }
0x90: {  	s2 =	sld [smem:$0x3FD0];
	(tm) =	ssettm $0x1  }
0x91: {  	s18 =	sld [smem:$0x3FFB];
	_ =	sdelay $0x3  }
0x92: {  	_ =	strace s18  }
0x93: {  	s3 =	sld [smem:$0x3FFC];
	_ =	sdelay $0x3  }
0x94: {  	_ =	strace s3  }
0x95: {  	s3 =	sld [smem:$0x3FFD];
	_ =	sdelay $0x3  }
0x96: {  	_ =	strace s3  }
0x97: {  	_ =	strace $0x8FFFFFFF  }
0x98: {  	s19 =	sld [smem:$0x3FDB];
	_ =	sdelay $0x1  }
0x99: {  	s4 =	simm.s32 $_scs_section_size  }
0x9a: {  	s5 =	simm.s32 $_size__tile_overlayer_lowered;
	s6 =	simm.s32 $_tile_overlayer_lowered  }
0x9b: {  	s22 =	simm.s32 $0x1BFF;
	s21 =	sshll.u32 s6, $0x1;
	s3 =	sadd.s32 s4, s19  }
0x9c: {  	s7 =	simm.s32 $0x0;
	s20 =	sshll.u32 s5, $0x1;
	s5 =	sadd.s32 s21, s3  }
0x9d: {  	[timem:s7], [sflag:s22] =	dma.local [hbm:s5], s20  }
0x9e: {  	_ =	swait.ge [sflag:s22], s20  }
0x9f: {  	s4 =	ssub.s32 $0x0, s20;
	[sflag:s22] =	ssyncset.done $0x0  }
0xa0: {  	[sflag:s22] =	ssyncadd.s32 s4;
	_ =	sdelay $0x1  }
0xa1: {  	s23 =	simm.s32 $0x1B8B  }
0xa2: {  	_ =	swait.ge [sflag:s23], $0x1  }
0xa3: {  	[sflag:s23] =	ssyncset.done $0x0  }
0xa4: {  	s25 =	simm.s32 $0x1B8E;
	s24 =	sld [smem:$0x3FFE];
	[sflag:s23] =	ssyncadd.s32 $0xFFFFFFFF  }
0xa5: {  	s26 =	simm.s32 $execute0_lowered;
	[smem:$0x3FD2] =	sst s25  }
0xa6: {  	s5 =	sshll.u32 s26, $0x1;
	_ =	strace $0x80000046;
	[dreg:$0x1] =	wrdreg $0xFFFFFFFF  }
0xa7: {  	s28 =	simm.s32 $_size_execute0_lowered;
	s3 =	sadd.s32 s3, s5;
	[dreg:$0x0] =	wrdreg $0x0  }
0xa8: {  	s5 =	sshll.u32 s28, $0x1;
	[dreg:$0x2] =	wrdreg s3  }
0xa9: {  	[dreg:$0x3] =	wrdreg s5  }
0xaa: {  	[dreg:$0x4] =	wrdreg $0xC0  }
0xab: {  	_ =	task [dreg:s7], $0x5FFFF  }
0xac: {  	[dreg:$0x1] =	wrdreg $0xFFFFFFFF  }
0xad: {  	[dreg:$0x0] =	wrdreg $0x60  }
0xae: {  	[dreg:$0x2] =	wrdreg s24  }
0xaf: {  	[dreg:$0x3] =	wrdreg s2  }
0xb0: {  	[dreg:$0x4] =	wrdreg $0x18E800  }
0xb1: {  	[dreg:$0x5] =	wrdreg $0x9  }
0xb2: {  	_ =	task.clear_ibuf [dreg:s7], $0x6FFFF;
	_ =	strace $0x90000046  }
0xb3: {  	s29 =	simm.s32 $0x9;
	_ =	strace $0x80000048  }
0xb4: {  	_ =	swait.ge [sflag:s29], $0x1  }
0xb5: {  	[sflag:s29] =	ssyncadd.s32 $0xFFFFFFFF  }
0xb6: {  	_ =	strace $0x90000048  }
0xb7: {  	_ =	sfence  }
0xb8: {  	s30 =	sld [smem:$0x0];
	_ =	sdelay $0x2  }
0xb9: {  	s31 =	sshll.u32 s1, $0xD;
	s1 =	sshrl.u32 s1, $0x2  }
0xba: {  	s3 =	sand.u32 $0x4000, s31;
	s1 =	sadd.s32 s1, s30  }
0xbb: {  	s0 =	sor.u32 s3, s0;
	s1 =	sshll.u32 s1, $0x11  }
0xbc: {  	s0 =	sor.u32 s1, s0  }
0xbd: {  	s0 =	sadd.s32 $0x8F2B, s0  }
0xbe: {  	[sflag:s0] =	ssyncadd.remote.s32 $0x1  }
0xbf: {  	_ =	sfence.sel $0xFFFF  }
0xc0: {  	[dreg:$0x0] =	wrdreg $0xFFFFFFFF;
	(pc) =	sbr.abs _section_cstart, $3  }
0xc1: {  	[dreg:$0x1] =	wrdreg $0xFFFFFFFF  }
0xc2: {  	_ =	task.clear_ibuf [dreg:s7], $0x2FFFF;
	_ =	strace $0x9FFFFFFF  }
0xc3: {  	(tm) =	ssettm $0x7FFFFFFF  }
tec
execute0_lowered:
.L_overlay_start_1:
0x0: {  	(tag) =	ssettag $0x1  }
0x1: {  	s3 =	rddreg [dreg:$0x0]  }
0x2: {  	s0 =	srdreg.scid;
	s6 =	rddreg [dreg:$0x1]  }
0x3: {  	s5 =	rddreg [dreg:$0x2];
	s1 =	stileid.u32  }
0x4: {  	s13 =	simm.s32 $0x14000;
	s14 =	simm.s32 $0x16400;
	s15 =	simm.s32 $0x18C00  }
0x5: {  	s16 =	simm.s32 $0x0;
	s8 =	sshrl.u32 s1, $0x3;
	s28 =	smul.u32 $0x5000, s1  }
0x6: {  	s4 =	sand.u32 $0x1, s0;
	s12 =	sshll.u32 s1, $0x7;
	s9 =	smul.u32 $0x50000, s8  }
0x7: {  	s2 =	sshll.u32 s4, $0x4;
	s10 =	ssub.s32 $0x2, s4;
	s4 =	smul.u32 $0x2800, s4  }
0x8: {  	s0 =	rddreg [dreg:$0x3];
	s8 =	smul.u32 $0x1400, s8;
	s26 =	sand.u32 $0x380, s12  }
0x9: {  	s12 =	simm.s32 $0x1400;
	s7 =	sor.u32 s1, s2;
	s2 =	simm.s32 $0x0  }
0xa: {  	s11 =	sshrl.u32 s10, $0x1;
	s31 =	sshrl.u32 s28, $0x2;
	s7 =	smul.u32 $0x2780, s7  }
0xb: {  	[smem:$0x7FF] =	sst s2;
	s25 =	ssub.s32 s10, s11;
	s9 =	sshrl.u32 s9, $0x2  }
0xc: {  	s4 =	sadd.s32 s4, s8;
	s8 =	simm.s32 $0x1;
	s10 =	simm.s32 $0x80  }
0xd: {  	s11 =	simm.s32 $0x400;
	_ =	strace $0x80000047;
	s29 =	sadd.s32 s9, s5  }
0xe: {  	s30 =	sor.u32 s26, s4;
	s5 =	sadd.s32 s31, s5;
	s3 =	sadd.s32 s7, s3  }
0xf: {  	s4 =	sadd.s32 s26, s29;
	s9 =	sshrl.u32 s30, $0x3;
	s7 =	smax.u32 s25, $0x1  }
0x10: {  	v0 =	vimm.s32 $0x0;
	s3 =	sadd.s32 $0x2200, s3;
	s6 =	sadd.s32 s6, s9;
	s9 =	simm.s32 $0x13C00  }
.LBB2_1:
0x11: {  	[tilespmem:s2], [sflag:$0x1] =	stream.linear.gather [hbm4b:s3+s2], $0x13880, $0x38;
	[tilespmem:$0x1B680] =	vst v63  }
0x12: {  	_ =	swait.ge [sflag:s8], $0x13880  }
0x13: {  	[sflag:s8] =	ssyncset.done $0x0  }
0x14: {  	s17 =	simm.s32 $0x0;
	[sflag:s8] =	ssyncadd.s32 $0xFFFEC780  }
.LBB2_2:
0x15: {  	p0 =	sne.s32 s17, $0x9FC0  }
.Ltmp0:
0x16: {  	_ = 	snop;
	(pc) =	sbr.rel @p0 .LBB2_2-.Ltmp0, $3  }
0x17: {  	_ =	sdelay $0x1  }
0x18: {  	s18 =	sshra.s32 s17, $0x2  }
0x19: {  	s17 =	sadd.s32 $0x40, s17;
	[tilespmem:s18+$0x13C00] =	vst v0  }
0x1a: {  	s18 =	simm.s32 $0x0;
	s17 =	simm.s32 $0x200  }
.LBB2_4:
0x1b: {  	p0 =	sne.s32 s17, $0x4E000;
	v1 =	vld [tilespmem:s18+$0x0];
	_ =	sdelay $0x4  }
0x1c: {  	(xrf1) =	vunique.msk.u32 $0xffff, v1;
	_ =	sdelay $0xd  }
0x1d: {  	_, v2, vm0 =	vpop (xrf1);
	_ =	sdelay $0x1  }
.Ltmp1:
0x1e: {  	(pc) =	sbr.rel @p0 .LBB2_4-.Ltmp1, $2  }
0x1f: {  	_ =	sdelay $0x2  }
0x20: {  	s18 =	sshra.s32 s17, $0x2;
	s17 =	sadd.s32 $0x200, s17;
	[tilespmem:v1+s9+$0x0] =	vst.idx.add.s32.msk vm0, v2  }
0x21: {  	v1 =	vld [tilespmem:s18+$0x0];
	_ =	sdelay $0x4  }
0x22: {  	(xrf1) =	vunique.msk.u32 $0xffff, v1;
	_ =	sdelay $0xd  }
0x23: {  	_, v2, vm0 =	vpop (xrf1);
	_ =	sdelay $0x5  }
0x24: {  	[tilespmem:v1+s9+$0x0] =	vst.idx.add.s32.msk vm0, v2  }
0x25: {  	[spmem:s4] =	stream.strided.scatter [tilespmem:s9], [sflag:$0x1], $0x2800, s11, s10, $0x38;
	[tilespmem:$0x1B680] =	vst v63  }
0x26: {  	_ =	swait.ge [sflag:s8], $0x2800  }
0x27: {  	[sflag:s8] =	ssyncset.done $0x0  }
0x28: {  	[sflag:s8] =	ssyncadd.s32 $0xFFFFD800  }
0x29: {  	s17 =	simm.s32 $0x0;
	[bflag:$0x0] =	sbarrier.arrive $0xFFFF  }
0x2a: {  	[tilespmem:s14], [sflag:$0x1] =	stream.strided.gather [spmem:s5], $0x2800, s13, s12, $0x38;
	[tilespmem:$0x1B680] =	vst v63  }
0x2b: {  	s29 =	sand.u32 $0x70, s17;
	s17 =	sand.u32 $0x1C00, s17;
	_ =	swait.ge [sflag:s8], $0x2800  }
0x2c: {  	s17 =	sor.u32 s29, s17;
	[sflag:s8] =	ssyncset.done $0x0  }
0x2d: {  	s18 =	sadd.s32 $0x16400, s17;
	[sflag:s8] =	ssyncadd.s32 $0xFFFFD800  }
0x2e: {  	v1 =	vld [tilespmem:s18+$0x80]  }
0x2f: {  	v2 =	vld [tilespmem:s17+$0x16400]  }
0x30: {  	v3 =	vld [tilespmem:s18+$0x100]  }
0x31: {  	v4 =	vld [tilespmem:s18+$0x180]  }
0x32: {  	v5 =	vld [tilespmem:s18+$0x200]  }
0x33: {  	v6 =	vld [tilespmem:s18+$0x280]  }
0x34: {  	v1 =	vadd.s32 v2, v1;
	v2 =	vld [tilespmem:s18+$0x300]  }
0x35: {  	v1 =	vadd.s32 v3, v1;
	v3 =	vld [tilespmem:s18+$0x380]  }
0x36: {  	v58 =	vld [tilespmem:s17+$0x17800];
	v1 =	vadd.s32 v4, v1  }
0x37: {  	v59 =	vld [tilespmem:s17+$0x17880];
	v1 =	vadd.s32 v5, v1  }
0x38: {  	v60 =	vld [tilespmem:s17+$0x17900];
	v1 =	vadd.s32 v6, v1  }
0x39: {  	v1 =	vadd.s32 v2, v1;
	v2 =	vld [tilespmem:s17+$0x17980]  }
0x3a: {  	v1 =	vadd.s32 v3, v1;
	v3 =	vld [tilespmem:s17+$0x17A00]  }
0x3b: {  	v61 =	vld [tilespmem:s17+$0x17A80];
	v1 =	vadd.s32 v58, v1  }
0x3c: {  	v62 =	vld [tilespmem:s17+$0x17B00];
	v1 =	vadd.s32 v59, v1  }
0x3d: {  	v63 =	vld [tilespmem:s17+$0x17B80];
	v1 =	vadd.s32 v60, v1  }
0x3e: {  	v1 =	vadd.s32 v2, v1  }
0x3f: {  	v1 =	vadd.s32 v3, v1  }
0x40: {  	s30 =	simm.s32 $0x10;
	s19 =	simm.s32 $0x80;
	v1 =	vadd.s32 v61, v1  }
0x41: {  	s31 =	sand.u32 $0x70, s30;
	s20 =	sand.u32 $0x1C00, s19;
	v1 =	vadd.s32 v62, v1  }
0x42: {  	s18 =	sor.u32 s31, s20;
	s20 =	simm.s32 $0x20;
	s17 =	simm.s32 $0x18C00;
	v1 =	vadd.s32 v63, v1  }
.LBB2_6:
0x43: {  	p0 =	sne.s32 s20, $0x270;
	s21 =	sadd.s32 $0x16400, s18;
	[tilespmem:s17+$0x0] =	vst v1  }
0x44: {  	v1 =	vld [tilespmem:s21+$0x80]  }
0x45: {  	v2 =	vld [tilespmem:s18+$0x16400]  }
0x46: {  	v3 =	vld [tilespmem:s21+$0x100]  }
0x47: {  	v4 =	vld [tilespmem:s21+$0x180]  }
0x48: {  	v5 =	vld [tilespmem:s21+$0x200]  }
0x49: {  	v6 =	vld [tilespmem:s21+$0x280]  }
0x4a: {  	v1 =	vadd.s32 v2, v1;
	v2 =	vld [tilespmem:s21+$0x300]  }
0x4b: {  	v1 =	vadd.s32 v3, v1;
	v3 =	vld [tilespmem:s21+$0x380]  }
0x4c: {  	v1 =	vadd.s32 v4, v1;
	v4 =	vld [tilespmem:s18+$0x17800]  }
0x4d: {  	v1 =	vadd.s32 v5, v1;
	v5 =	vld [tilespmem:s18+$0x17880]  }
0x4e: {  	v1 =	vadd.s32 v6, v1;
	v6 =	vld [tilespmem:s18+$0x17900]  }
0x4f: {  	v1 =	vadd.s32 v2, v1;
	v2 =	vld [tilespmem:s18+$0x17980]  }
0x50: {  	v1 =	vadd.s32 v3, v1;
	v3 =	vld [tilespmem:s18+$0x17A00]  }
0x51: {  	v1 =	vadd.s32 v4, v1;
	v4 =	vld [tilespmem:s18+$0x17A80]  }
0x52: {  	v1 =	vadd.s32 v5, v1;
	v5 =	vld [tilespmem:s18+$0x17B00]  }
0x53: {  	v1 =	vadd.s32 v6, v1;
	v6 =	vld [tilespmem:s18+$0x17B80]  }
.Ltmp2:
0x54: {  	v1 =	vadd.s32 v2, v1;
	(pc) =	sbr.rel @p0 .LBB2_6-.Ltmp2, $4  }
0x55: {  	v1 =	vadd.s32 v3, v1  }
0x56: {  	s19 =	sadd.s32 $0x80, s19;
	v1 =	vadd.s32 v4, v1  }
0x57: {  	s21 =	sand.u32 $0x1C00, s19;
	s18 =	sand.u32 $0x70, s20;
	v1 =	vadd.s32 v5, v1  }
0x58: {  	s17 =	sadd.s32 $0x10, s17;
	s20 =	sadd.s32 $0x10, s20;
	s18 =	sor.u32 s18, s21;
	v1 =	vadd.s32 v6, v1  }
0x59: {  	s19 =	sadd.s32 $0x16400, s18;
	[tilespmem:s17+$0x0] =	vst v1  }
0x5a: {  	v1 =	vld [tilespmem:s19+$0x80]  }
0x5b: {  	v2 =	vld [tilespmem:s18+$0x16400]  }
0x5c: {  	v3 =	vld [tilespmem:s19+$0x100]  }
0x5d: {  	v4 =	vld [tilespmem:s19+$0x180]  }
0x5e: {  	v5 =	vld [tilespmem:s19+$0x200]  }
0x5f: {  	v6 =	vld [tilespmem:s19+$0x280]  }
0x60: {  	v1 =	vadd.s32 v2, v1;
	v2 =	vld [tilespmem:s19+$0x300]  }
0x61: {  	v1 =	vadd.s32 v3, v1;
	v3 =	vld [tilespmem:s19+$0x380]  }
0x62: {  	v58 =	vld [tilespmem:s18+$0x17800];
	v1 =	vadd.s32 v4, v1  }
0x63: {  	v59 =	vld [tilespmem:s18+$0x17880];
	v1 =	vadd.s32 v5, v1  }
0x64: {  	v60 =	vld [tilespmem:s18+$0x17900];
	v1 =	vadd.s32 v6, v1  }
0x65: {  	v1 =	vadd.s32 v2, v1;
	v2 =	vld [tilespmem:s18+$0x17980]  }
0x66: {  	v1 =	vadd.s32 v3, v1;
	v3 =	vld [tilespmem:s18+$0x17A00]  }
0x67: {  	v61 =	vld [tilespmem:s18+$0x17A80];
	v1 =	vadd.s32 v58, v1  }
0x68: {  	v62 =	vld [tilespmem:s18+$0x17B00];
	v1 =	vadd.s32 v59, v1  }
0x69: {  	v63 =	vld [tilespmem:s18+$0x17B80];
	v1 =	vadd.s32 v60, v1  }
0x6a: {  	v1 =	vadd.s32 v2, v1  }
0x6b: {  	v1 =	vadd.s32 v3, v1  }
0x6c: {  	v1 =	vadd.s32 v61, v1  }
0x6d: {  	s16 =	sadd.s32 $0x1, s16;
	v1 =	vadd.s32 v62, v1  }
0x6e: {  	s31 =	sadd.s32 $0x10, s17;
	p0 =	sne.s32 s16, s7;
	v1 =	vadd.s32 v63, v1  }
.Ltmp3:
0x6f: {  	[tilespmem:s31+$0x0] =	vst v1;
	(pc) =	sbr.rel @p0 .LBB2_1-.Ltmp3, $4  }
0x70: {  	[hbm4b:s6+s10] =	stream.strided.scatter [tilespmem:s15], [sflag:$0x1], $0x280, s11, s10, $0x38;
	[tilespmem:$0x1B680] =	vst v63  }
0x71: {  	_ =	swait.ge [sflag:s8], $0x280  }
0x72: {  	[sflag:s8] =	ssyncset.done $0x0  }
0x73: {  	[sflag:s8] =	ssyncadd.s32 $0xFFFFFD80  }
0x74: {  	_ =	sfence.sel $0x180000  }
0x75: {  	[bflag:$0x0] =	sbarrier.arrive $0xFFFF  }
0x76: {  	p0 =	sne.s32 s1, $0x0;
	_ =	strace $0x90000047  }
0x77: {  	s0 =	sadd.s32 @!p0 $0x100000, s0;
	[bflag:$0x2] =	sbarrier.arrive $0xFFFF  }
0x78: {  	[sflag:s0] =	ssyncadd.tile.s32 @!p0 $0x1;
	_ =	shalt  }
.Lfunc_end2:
_tile_overlayer_lowered:
.L_overlay_start_2:
0x79: {  	(tag) =	ssettag $0x2  }
0x7a: {  	s0 =	rddreg [dreg:$0x0];
	s2 =	stileid.u32  }
0x7b: {  	s1 =	rddreg [dreg:$0x1];
	p0 =	sne.s32 s2, $0x0  }
0x7c: {  	s3 =	rddreg [dreg:$0x2];
	[bflag:$0x3] =	sbarrier.arrive $0xFFFF;
	s2 =	simm.s32 @!p0 $0x1C01  }
0x7d: {  	[timem:s3], [sflag:s2] =	dma.local @!p0 [hbm:s0], s1  }
0x7e: {  	s0 =	simm.s32 @!p0 $0x1  }
0x7f: {  	_ =	swait.ge @!p0 [sflag:s0], s1  }
0x80: {  	s1 =	ssub.s32 @!p0 $0x0, s1;
	[sflag:s0] =	ssyncset.done @!p0 $0x0  }
0x81: {  	[sflag:s0] =	ssyncadd.s32 @!p0 s1  }
0x82: {  	[bflag:$0x3] =	sbarrier.arrive $0xFFFF  }
0x83: {  	_ =	shalt  }

// kernel: kernel.9.cloned.1.call-start
scs
__scs_entry_jumppad:
0x0: {  	(pc) =	sbr.rel $0x88, $3  }
0x1: {  	(tag) =	ssettag $0x0;
	lr =	simm.s32 $0x1  }
0x2: {  	[smem:$0x3F99] =	sst lr;
	_ =	strace $0xD0000000  }
0x3: {  	_ = 	snop  }
0x4: {  	_ = 	snop  }
0x5: {  	_ = 	snop  }
0x6: {  	_ = 	snop  }
0x7: {  	_ = 	snop  }
__scs_overlays_trampoline_lowered:
0x8: {  	[smem:$0x3FA8] =	sst s0  }
0x9: {  	[smem:$0x3FA9] =	sst s1  }
0xa: {  	[smem:$0x3FAA] =	sst s2  }
0xb: {  	[smem:$0x3FAB] =	sst s3  }
0xc: {  	[smem:$0x3FAC] =	sst s4  }
0xd: {  	[smem:$0x3FAD] =	sst s5  }
0xe: {  	[smem:$0x3FAE] =	sst s6  }
0xf: {  	[smem:$0x3FAF] =	sst s7  }
0x10: {  	[smem:$0x3FB0] =	sst s8  }
0x11: {  	[smem:$0x3FB1] =	sst s9;
	s0 =	simm.s32 @!p0 $0x0  }
0x12: {  	s1 =	sld [smem:$0x3F97];
	s0 =	simm.s32 @p0 $0x1  }
0x13: {  	[smem:$0x3FB2] =	sst s0;
	s0 =	simm.s32 @!p1 $0x0  }
0x14: {  	s2 =	sld [smem:$0x3F96];
	s0 =	simm.s32 @p1 $0x1  }
0x15: {  	[smem:$0x3FB3] =	sst s0;
	s0 =	simm.s32 @!p2 $0x0  }
0x16: {  	s3 =	sld [smem:$0x3FDB];
	s0 =	simm.s32 @p2 $0x1  }
0x17: {  	s4 =	simm.s32 $0x1BF5;
	[smem:$0x3FB5] =	sst s0  }
0x18: {  	s0 =	sld [smem:$0x3F98];
	_ =	swait.ge [sflag:s4], $0x0  }
0x19: {  	s7 =	sld [smem:$0x3F99]  }
0x1a: {  	s8 =	sadd.s32 $0xFFFFE003, lr  }
0x1b: {  	s9 =	sadd.s32 $0xFFFFFEF7, lr;
	s5 =	simm.s32 $0xFFFFFFFF;
	p2 =	slt.u32 s8, $0xFFFFF086  }
0x1c: {  	p1 =	slt.u32 s9, $0xF7A;
	s5 =	simm.s32 @!p2 $0x0  }
0x1d: {  	s5 =	simm.s32 @p1 $0x1;
	p0 =	seq.s32 s7, s2  }
0x1e: {  	s7 =	smul.u32 @!p0 $0xF7A, s2;
	p2 =	seq.s32 @!p0 s5, $0x0  }
0x1f: {  	s9 =	smul.u32 $0xF7A, s1;
	s8 =	simm.s32 @!p0 $0x1BF5;
	p2 =	por !p2, p0  }
0x20: {  	[sflag:s8] =	ssyncset.s32 @!p0 $0xFFFFF086;
	s6 =	sadd.s32 @!p0 s3, s7;
	s7 =	simm.s32 @!p0 $0x108  }
0x21: {  	s3 =	sadd.s32 s3, s9;
	s6 =	sadd.s32 @!p0 $0x88, s6;
	s7 =	simm.s32 @p2 $0x1082  }
0x22: {  	[simem:s7], [sflag:s8] =	dma.local @!p0 [hbm:s6], $0xF7A  }
0x23: {  	s9 =	sor.u32 $0xD0000000, s2;
	s6 =	simm.s32 $0x108;
	_ =	swait.ge @!p0 [sflag:s8], $0x0  }
0x24: {  	s3 =	sadd.s32 $0x88, s3;
	s6 =	simm.s32 @!p1 $0x1082;
	[sflag:s4] =	ssyncset.s32 $0xFFFFF086  }
0x25: {  	[simem:s6], [sflag:s4] =	dma.local [hbm:s3], $0xF7A  }
0x26: {  	[smem:$0x3F99] =	sst s1;
	(tag) =	ssettag s2;
	_ =	strace s9  }
0x27: {  	s1 =	sld [smem:$0x3FA9]  }
0x28: {  	s2 =	sld [smem:$0x3FAA]  }
0x29: {  	s4 =	sld [smem:$0x3FAC]  }
0x2a: {  	p0 =	seq.s32 s5, $0x0;
	s5 =	sld [smem:$0x3FAD]  }
0x2b: {  	s6 =	sld [smem:$0x3FAE]  }
0x2c: {  	s7 =	sld [smem:$0x3FAF]  }
0x2d: {  	s3 =	simm.s32 $0x108;
	s8 =	sld [smem:$0x3FB0]  }
0x2e: {  	s3 =	simm.s32 @!p0 $0x1082;
	s9 =	sld [smem:$0x3FB1]  }
0x2f: {  	lr =	sadd.s32 s0, s3;
	s0 =	sld [smem:$0x3FA8]  }
0x30: {  	s3 =	sld [smem:$0x3FAB]  }
0x31: {  	[smem:$0x3FB4] =	sst s10  }
0x32: {  	s10 =	sld [smem:$0x3FB2];
	_ =	sdelay $0x3  }
0x33: {  	p0 =	seq.s32 s10, $0x1;
	s10 =	sld [smem:$0x3FB4];
	_ =	sdelay $0x3  }
0x34: {  	[smem:$0x3FB4] =	sst s10  }
0x35: {  	s10 =	sld [smem:$0x3FB3];
	_ =	sdelay $0x3  }
0x36: {  	p1 =	seq.s32 s10, $0x1;
	s10 =	sld [smem:$0x3FB4];
	_ =	sdelay $0x3  }
0x37: {  	[smem:$0x3FB4] =	sst s10  }
0x38: {  	s10 =	sld [smem:$0x3FB5]  }
0x39: {  	_ = 	snop;
	(pc) =	sbr.ind lr, $3  }
0x3a: {  	_ = 	snop  }
0x3b: {  	_ = 	snop  }
0x3c: {  	p2 =	seq.s32 s10, $0x1;
	s10 =	sld [smem:$0x3FB4]  }
0x3d: {  	_ =	shalt  }
0x3e: {  	_ =	shalt  }
0x3f: {  	_ =	shalt  }
0x40: {  	_ =	shalt  }
0x41: {  	_ =	shalt  }
0x42: {  	_ =	shalt  }
0x43: {  	_ =	shalt  }
0x44: {  	_ =	shalt  }
0x45: {  	_ =	shalt  }
0x46: {  	_ =	shalt  }
0x47: {  	_ =	shalt  }
0x48: {  	_ =	shalt  }
0x49: {  	_ =	shalt  }
0x4a: {  	_ =	shalt  }
0x4b: {  	_ =	shalt  }
0x4c: {  	_ =	shalt  }
0x4d: {  	_ =	shalt  }
0x4e: {  	_ =	shalt  }
0x4f: {  	_ =	shalt  }
0x50: {  	_ =	shalt  }
0x51: {  	_ =	shalt  }
0x52: {  	_ =	shalt  }
0x53: {  	_ =	shalt  }
0x54: {  	_ =	shalt  }
0x55: {  	_ =	shalt  }
0x56: {  	_ =	shalt  }
0x57: {  	_ =	shalt  }
0x58: {  	_ =	shalt  }
0x59: {  	_ =	shalt  }
0x5a: {  	_ =	shalt  }
0x5b: {  	_ =	shalt  }
0x5c: {  	_ =	shalt  }
0x5d: {  	_ =	shalt  }
0x5e: {  	_ =	shalt  }
0x5f: {  	_ =	shalt  }
0x60: {  	_ =	shalt  }
0x61: {  	_ =	shalt  }
0x62: {  	_ =	shalt  }
0x63: {  	_ =	shalt  }
0x64: {  	_ =	shalt  }
0x65: {  	_ =	shalt  }
0x66: {  	_ =	shalt  }
0x67: {  	_ =	shalt  }
0x68: {  	_ =	shalt  }
0x69: {  	_ =	shalt  }
0x6a: {  	_ =	shalt  }
0x6b: {  	_ =	shalt  }
0x6c: {  	_ =	shalt  }
0x6d: {  	_ =	shalt  }
0x6e: {  	_ =	shalt  }
0x6f: {  	_ =	shalt  }
0x70: {  	_ =	shalt  }
0x71: {  	_ =	shalt  }
0x72: {  	_ =	shalt  }
0x73: {  	_ =	shalt  }
0x74: {  	_ =	shalt  }
0x75: {  	_ =	shalt  }
0x76: {  	_ =	shalt  }
0x77: {  	_ =	shalt  }
0x78: {  	_ =	shalt  }
0x79: {  	_ =	shalt  }
0x7a: {  	_ =	shalt  }
0x7b: {  	_ =	shalt  }
0x7c: {  	_ =	shalt  }
0x7d: {  	_ =	shalt  }
0x7e: {  	_ =	shalt  }
0x7f: {  	_ =	shalt  }
0x80: {  	_ =	shalt  }
0x81: {  	_ =	shalt  }
0x82: {  	_ =	shalt  }
0x83: {  	_ =	shalt  }
0x84: {  	_ =	shalt  }
0x85: {  	_ =	shalt  }
0x86: {  	_ =	shalt  }
0x87: {  	_ =	shalt  }
.Lfunc_end0:
.L_simem_size_0:
called_computation.1_lowered:
.L_overlay_start_0:
0x88: {  	s2 =	sld [smem:$0x3FD9]  }
0x89: {  	s3 =	sld [smem:$0x3FFE];
	_ =	sdelay $0x1  }
0x8a: {  	s1 =	srdreg.scid  }
0x8b: {  	s0 =	sand.u32 $0x1, s1  }
0x8c: {  	s17 =	sshll.u32 s0, $0xA;
	s2 =	sadd.s32 s3, s2  }
0x8d: {  	s2 =	sadd.s32 s2, s17  }
0x8e: {  	[smem:$0x3FC0] =	sst s2  }
0x8f: {  	_ = 	snop  }
0x90: {  	s2 =	sld [smem:$0x3FD0];
	(tm) =	ssettm $0x1  }
0x91: {  	s18 =	sld [smem:$0x3FFB];
	_ =	sdelay $0x3  }
0x92: {  	_ =	strace s18  }
0x93: {  	s3 =	sld [smem:$0x3FFC];
	_ =	sdelay $0x3  }
0x94: {  	_ =	strace s3  }
0x95: {  	s3 =	sld [smem:$0x3FFD];
	_ =	sdelay $0x3  }
0x96: {  	_ =	strace s3  }
0x97: {  	_ =	strace $0x8FFFFFFF  }
0x98: {  	s19 =	sld [smem:$0x3FDB];
	_ =	sdelay $0x1  }
0x99: {  	s4 =	simm.s32 $_scs_section_size  }
0x9a: {  	s5 =	simm.s32 $_size__tile_overlayer_lowered;
	s6 =	simm.s32 $_tile_overlayer_lowered  }
0x9b: {  	s22 =	simm.s32 $0x1BFF;
	s21 =	sshll.u32 s6, $0x1;
	s3 =	sadd.s32 s4, s19  }
0x9c: {  	s7 =	simm.s32 $0x0;
	s20 =	sshll.u32 s5, $0x1;
	s5 =	sadd.s32 s21, s3  }
0x9d: {  	[timem:s7], [sflag:s22] =	dma.local [hbm:s5], s20  }
0x9e: {  	_ =	swait.ge [sflag:s22], s20  }
0x9f: {  	s4 =	ssub.s32 $0x0, s20;
	[sflag:s22] =	ssyncset.done $0x0  }
0xa0: {  	[sflag:s22] =	ssyncadd.s32 s4;
	_ =	sdelay $0x1  }
0xa1: {  	s23 =	simm.s32 $0x1B8B  }
0xa2: {  	_ =	swait.ge [sflag:s23], $0x1  }
0xa3: {  	[sflag:s23] =	ssyncset.done $0x0  }
0xa4: {  	s25 =	simm.s32 $0x1B8E;
	s24 =	sld [smem:$0x3FFE];
	[sflag:s23] =	ssyncadd.s32 $0xFFFFFFFF  }
0xa5: {  	s26 =	simm.s32 $execute0_lowered;
	[smem:$0x3FD2] =	sst s25  }
0xa6: {  	s5 =	sshll.u32 s26, $0x1;
	_ =	strace $0x80000049;
	[dreg:$0x1] =	wrdreg $0xFFFFFFFF  }
0xa7: {  	s28 =	simm.s32 $_size_execute0_lowered;
	s3 =	sadd.s32 s3, s5;
	[dreg:$0x0] =	wrdreg $0x0  }
0xa8: {  	s5 =	sshll.u32 s28, $0x1;
	[dreg:$0x2] =	wrdreg s3  }
0xa9: {  	[dreg:$0x3] =	wrdreg s5  }
0xaa: {  	[dreg:$0x4] =	wrdreg $0xC0  }
0xab: {  	_ =	task [dreg:s7], $0x5FFFF  }
0xac: {  	[dreg:$0x1] =	wrdreg $0xFFFFFFFF  }
0xad: {  	[dreg:$0x0] =	wrdreg $0x60  }
0xae: {  	[dreg:$0x2] =	wrdreg s2  }
0xaf: {  	[dreg:$0x3] =	wrdreg s24  }
0xb0: {  	[dreg:$0x4] =	wrdreg $0xA0000  }
0xb1: {  	[dreg:$0x5] =	wrdreg $0x9  }
0xb2: {  	_ =	task.clear_ibuf [dreg:s7], $0x6FFFF;
	_ =	strace $0x90000049  }
0xb3: {  	s29 =	simm.s32 $0x9;
	_ =	strace $0x8000004B  }
0xb4: {  	_ =	swait.ge [sflag:s29], $0x1  }
0xb5: {  	[sflag:s29] =	ssyncadd.s32 $0xFFFFFFFF  }
0xb6: {  	_ =	strace $0x9000004B  }
0xb7: {  	_ =	sfence  }
0xb8: {  	s30 =	sld [smem:$0x0];
	_ =	sdelay $0x2  }
0xb9: {  	s31 =	sshll.u32 s1, $0xD;
	s1 =	sshrl.u32 s1, $0x2  }
0xba: {  	s3 =	sand.u32 $0x4000, s31;
	s1 =	sadd.s32 s1, s30  }
0xbb: {  	s0 =	sor.u32 s3, s0;
	s1 =	sshll.u32 s1, $0x11  }
0xbc: {  	s0 =	sor.u32 s1, s0  }
0xbd: {  	s0 =	sadd.s32 $0x8F2B, s0  }
0xbe: {  	[sflag:s0] =	ssyncadd.remote.s32 $0x1  }
0xbf: {  	_ =	sfence.sel $0xFFFF  }
0xc0: {  	[dreg:$0x0] =	wrdreg $0xFFFFFFFF;
	(pc) =	sbr.abs _section_cstart, $3  }
0xc1: {  	[dreg:$0x1] =	wrdreg $0xFFFFFFFF  }
0xc2: {  	_ =	task.clear_ibuf [dreg:s7], $0x2FFFF;
	_ =	strace $0x9FFFFFFF  }
0xc3: {  	(tm) =	ssettm $0x7FFFFFFF  }
tec
execute0_lowered:
.L_overlay_start_1:
0x0: {  	(tag) =	ssettag $0x1  }
0x1: {  	s1 =	rddreg [dreg:$0x0]  }
0x2: {  	s5 =	rddreg [dreg:$0x1]  }
0x3: {  	s2 =	rddreg [dreg:$0x2]  }
0x4: {  	s3 =	srdreg.scid;
	s4 =	simm.s32 $0x0;
	s0 =	stileid.u32  }
0x5: {  	s18 =	simm.s32 $0x3;
	s20 =	simm.s32 $0x7D;
	s21 =	simm.s32 $0x6000  }
0x6: {  	s22 =	simm.s32 $0x1;
	s23 =	simm.s32 $0x2;
	s7 =	sand.u32 $0x1, s3  }
0x7: {  	[smem:$0x7FF] =	sst s4;
	s8 =	smul.u32 $0x14000, s0;
	s16 =	sadd.s32 $0x61200, s5  }
0x8: {  	s9 =	smul.u32 $0x50000, s0;
	s15 =	sadd.s32 $0x51200, s5;
	s31 =	sshll.u32 s0, $0xE  }
0x9: {  	s6 =	smul.u32 $0x140000, s7;
	_ =	strace $0x8000004A;
	s29 =	ssub.s32 $0x2, s7  }
0xa: {  	s30 =	sshll.u32 s7, $0x12;
	s10 =	sshrl.u32 s29, $0x1;
	s9 =	sshrl.u32 s9, $0x2  }
0xb: {  	s17 =	sor.u32 s31, s30;
	s6 =	sadd.s32 s8, s6;
	s14 =	ssub.s32 s29, s10  }
0xc: {  	s12 =	sshrl.u32 s17, $0x3;
	s17 =	sor.u32 $0x800, s17;
	s6 =	sshrl.u32 s6, $0x3  }
0xd: {  	s11 =	sadd.s32 s16, s12;
	s12 =	sadd.s32 s15, s12;
	s14 =	smax.u32 s14, $0x1  }
0xe: {  	s17 =	sshrl.u32 s17, $0x3;
	s13 =	sadd.s32 s6, s5;
	s5 =	sadd.s32 s9, s2  }
0xf: {  	s15 =	sadd.s32 s17, s15;
	s16 =	sadd.s32 s17, s16;
	s17 =	simm.s32 $0x2000  }
0x10: {  	s6 =	sadd.s32 $0x3E80, s5;
	s7 =	sadd.s32 $0x7D00, s5;
	s8 =	sadd.s32 $0xBB80, s5  }
0x11: {  	v0 =	vimm.f32 $0.0e+00;
	s9 =	sadd.s32 $0xFA00, s5;
	s10 =	sadd.s32 $0x13880, s5;
	s13 =	sadd.s32 $0x71200, s13  }
.LBB2_1:
0x12: {  	s24 =	simm.s32 $0x0;
	s25 =	simm.s32 $0x200  }
.LBB2_2:
0x13: {  	p0 =	sne.s32 s25, $0xF800;
	[tilespmem:s24+$0x2070] =	vst v0  }
0x14: {  	[tilespmem:s24+$0x2000] =	vst v0  }
0x15: {  	[tilespmem:s24+$0x2010] =	vst v0  }
.Ltmp0:
0x16: {  	[tilespmem:s24+$0x2020] =	vst v0;
	(pc) =	sbr.rel @p0 .LBB2_2-.Ltmp0, $4  }
0x17: {  	[tilespmem:s24+$0x2030] =	vst v0  }
0x18: {  	[tilespmem:s24+$0x2040] =	vst v0  }
0x19: {  	[tilespmem:s24+$0x2050] =	vst v0  }
0x1a: {  	[tilespmem:s24+$0x2060] =	vst v0;
	s24 =	sshra.s32 s25, $0x2;
	s25 =	sadd.s32 $0x200, s25  }
0x1b: {  	[tilespmem:s24+$0x2070] =	vst v0  }
0x1c: {  	[tilespmem:s24+$0x2000] =	vst v0  }
0x1d: {  	[tilespmem:s24+$0x2010] =	vst v0  }
0x1e: {  	[tilespmem:s24+$0x2020] =	vst v0  }
0x1f: {  	[tilespmem:s24+$0x2030] =	vst v0  }
0x20: {  	[tilespmem:s24+$0x2040] =	vst v0  }
0x21: {  	[tilespmem:s24+$0x2050] =	vst v0  }
0x22: {  	[tilespmem:s24+$0x2060] =	vst v0  }
0x23: {  	[spmem:s5] =	stream.linear.scatter [tilespmem:s17], [sflag:$0x3], $0x3E80, $0x38;
	[tilespmem:$0x1E000] =	vst v63  }
0x24: {  	_ =	swait.ge [sflag:s18], $0x3E80  }
0x25: {  	[sflag:s18] =	ssyncset.done $0x0  }
0x26: {  	[sflag:s18] =	ssyncadd.s32 $0xFFFFC180  }
0x27: {  	[spmem:s6] =	stream.linear.scatter [tilespmem:s17], [sflag:$0x3], $0x3E80, $0x38;
	[tilespmem:$0x1E000] =	vst v63  }
0x28: {  	_ =	swait.ge [sflag:s18], $0x3E80  }
0x29: {  	[sflag:s18] =	ssyncset.done $0x0  }
0x2a: {  	[sflag:s18] =	ssyncadd.s32 $0xFFFFC180  }
0x2b: {  	[spmem:s7] =	stream.linear.scatter [tilespmem:s17], [sflag:$0x3], $0x3E80, $0x38;
	[tilespmem:$0x1E000] =	vst v63  }
0x2c: {  	_ =	swait.ge [sflag:s18], $0x3E80  }
0x2d: {  	[sflag:s18] =	ssyncset.done $0x0  }
0x2e: {  	[sflag:s18] =	ssyncadd.s32 $0xFFFFC180  }
0x2f: {  	[spmem:s8] =	stream.linear.scatter [tilespmem:s17], [sflag:$0x3], $0x3E80, $0x38;
	[tilespmem:$0x1E000] =	vst v63  }
0x30: {  	_ =	swait.ge [sflag:s18], $0x3E80  }
0x31: {  	[sflag:s18] =	ssyncset.done $0x0  }
0x32: {  	[sflag:s18] =	ssyncadd.s32 $0xFFFFC180  }
0x33: {  	[spmem:s9] =	stream.linear.scatter [tilespmem:s17], [sflag:$0x3], $0x3E80, $0x38;
	[tilespmem:$0x1E000] =	vst v63  }
0x34: {  	_ =	swait.ge [sflag:s18], $0x3E80  }
0x35: {  	[sflag:s18] =	ssyncset.done $0x0  }
0x36: {  	[sflag:s18] =	ssyncadd.s32 $0xFFFFC180  }
0x37: {  	[spmem:s10] =	stream.linear.scatter [tilespmem:s17], [sflag:$0x3], $0x780, $0x38;
	[tilespmem:$0x1E000] =	vst v63  }
0x38: {  	_ =	swait.ge [sflag:s18], $0x780  }
0x39: {  	[sflag:s18] =	ssyncset.done $0x0  }
0x3a: {  	s26 =	simm.s32 $0x0;
	[sflag:s18] =	ssyncadd.s32 $0xFFFFF880  }
0x3b: {  	[tilespmem:s26], [sflag:$0x3] =	stream.linear.gather [hbm4b:s11+s26], $0x500, $0x38;
	[tilespmem:$0x1E000] =	vst v63  }
0x3c: {  	_ =	swait.ge [sflag:s18], $0x500  }
0x3d: {  	[sflag:s18] =	ssyncset.done $0x0  }
0x3e: {  	s0 =	simm.s32 $0x1000;
	[sflag:s18] =	ssyncadd.s32 $0xFFFFFB00  }
0x3f: {  	[tilespmem:s0], [sflag:$0x3] =	stream.linear.gather [hbm4b:s12+s26], $0x500, $0x38;
	[tilespmem:$0x1E000] =	vst v63  }
0x40: {  	_ =	swait.ge [sflag:s18], $0x500  }
0x41: {  	[sflag:s18] =	ssyncset.done $0x0  }
0x42: {  	s24 =	simm.s32 $0x1;
	[sflag:s18] =	ssyncadd.s32 $0xFFFFFB00  }
0x43: {  	p0 =	por $0x0, $0x0;
	s25 =	sand.u32 $0x1, s24;
	[bflag:$0x0] =	sbarrier.arrive $0xFFFF  }
0x44: {  	[tilespmem:s17], [sflag:$0x1] =	stream.indirect.gather [hbm4b:s1+s20], $0x80, s26, s20, $0xb8;
	[tilespmem:$0x1E000] =	vst v63  }
0x45: {  	s29 =	simm.s32 @!p0 $0x0;
	s30 =	simm.s32 @!p0 $0x3;
	s28 =	sshll.u32 @!p0 s25, $0xB  }
0x46: {  	[tilespmem:s28], [sflag:$0x3] =	stream.linear.gather @!p0 [hbm4b:s16+s29], $0x500, $0x38;
	[tilespmem:$0x1E000] =	vst v63  }
0x47: {  	_ =	swait.ge @!p0 [sflag:s30], $0x500  }
0x48: {  	[sflag:s30] =	ssyncset.done @!p0 $0x0  }
0x49: {  	s28 =	sor.u32 @!p0 $0x1000, s28;
	[sflag:s30] =	ssyncadd.s32 @!p0 $0xFFFFFB00  }
0x4a: {  	[tilespmem:s28], [sflag:$0x3] =	stream.linear.gather @!p0 [hbm4b:s15+s29], $0x500, $0x38;
	[tilespmem:$0x1E000] =	vst v63  }
0x4b: {  	s26 =	sand.u32 $0x1, s26;
	_ =	swait.ge @!p0 [sflag:s30], $0x500  }
0x4c: {  	s26 =	sshll.u32 s26, $0xB;
	[sflag:s30] =	ssyncset.done @!p0 $0x0  }
0x4d: {  	s28 =	sor.u32 $0x80, s26;
	[sflag:s30] =	ssyncadd.s32 @!p0 $0xFFFFFB00  }
0x4e: {  	[tilespmem:s21], [sflag:$0x2] =	stream.indirect.gather [hbm4b:s1+s20], $0x80, s28, s20, $0xb8;
	[tilespmem:$0x1E000] =	vst v63  }
0x4f: {  	_ =	swait.ge [sflag:s22], $0x3E80  }
0x50: {  	[sflag:s22] =	ssyncset.done $0x0  }
0x51: {  	s28 =	sor.u32 $0x1000, s26;
	[sflag:s22] =	ssyncadd.s32 $0xFFFFC180  }
0x52: {  	[spmem:s2] =	stream.indirect.scatter.add.f32 [tilespmem:s17], [sflag:$0x3], $0x80, s28, s20, $0xb8;
	[tilespmem:$0x1E000] =	vst v63  }
0x53: {  	_ =	swait.ge [sflag:s18], $0x3E80  }
0x54: {  	[sflag:s18] =	ssyncset.done $0x0  }
0x55: {  	s28 =	sor.u32 $0x100, s26;
	[sflag:s18] =	ssyncadd.s32 $0xFFFFC180  }
0x56: {  	[tilespmem:s17], [sflag:$0x1] =	stream.indirect.gather [hbm4b:s1+s20], $0x80, s28, s20, $0xb8;
	[tilespmem:$0x1E000] =	vst v63  }
0x57: {  	_ =	swait.ge [sflag:s23], $0x3E80  }
0x58: {  	[sflag:s23] =	ssyncset.done $0x0  }
0x59: {  	s28 =	sor.u32 $0x1080, s26;
	[sflag:s23] =	ssyncadd.s32 $0xFFFFC180  }
0x5a: {  	[spmem:s2] =	stream.indirect.scatter.add.f32 [tilespmem:s21], [sflag:$0x3], $0x80, s28, s20, $0xb8;
	[tilespmem:$0x1E000] =	vst v63  }
0x5b: {  	_ =	swait.ge [sflag:s18], $0x3E80  }
0x5c: {  	[sflag:s18] =	ssyncset.done $0x0  }
0x5d: {  	s28 =	sor.u32 $0x180, s26;
	[sflag:s18] =	ssyncadd.s32 $0xFFFFC180  }
0x5e: {  	[tilespmem:s21], [sflag:$0x2] =	stream.indirect.gather [hbm4b:s1+s20], $0x80, s28, s20, $0xb8;
	[tilespmem:$0x1E000] =	vst v63  }
0x5f: {  	_ =	swait.ge [sflag:s22], $0x3E80  }
0x60: {  	[sflag:s22] =	ssyncset.done $0x0  }
0x61: {  	s28 =	sor.u32 $0x1100, s26;
	[sflag:s22] =	ssyncadd.s32 $0xFFFFC180  }
0x62: {  	[spmem:s2] =	stream.indirect.scatter.add.f32 [tilespmem:s17], [sflag:$0x3], $0x80, s28, s20, $0xb8;
	[tilespmem:$0x1E000] =	vst v63  }
0x63: {  	_ =	swait.ge [sflag:s18], $0x3E80  }
0x64: {  	[sflag:s18] =	ssyncset.done $0x0  }
0x65: {  	s28 =	sor.u32 $0x200, s26;
	[sflag:s18] =	ssyncadd.s32 $0xFFFFC180  }
0x66: {  	[tilespmem:s17], [sflag:$0x1] =	stream.indirect.gather [hbm4b:s1+s20], $0x80, s28, s20, $0xb8;
	[tilespmem:$0x1E000] =	vst v63  }
0x67: {  	_ =	swait.ge [sflag:s23], $0x3E80  }
0x68: {  	[sflag:s23] =	ssyncset.done $0x0  }
0x69: {  	s28 =	sor.u32 $0x1180, s26;
	[sflag:s23] =	ssyncadd.s32 $0xFFFFC180  }
0x6a: {  	[spmem:s2] =	stream.indirect.scatter.add.f32 [tilespmem:s21], [sflag:$0x3], $0x80, s28, s20, $0xb8;
	[tilespmem:$0x1E000] =	vst v63  }
0x6b: {  	_ =	swait.ge [sflag:s18], $0x3E80  }
0x6c: {  	[sflag:s18] =	ssyncset.done $0x0  }
0x6d: {  	s28 =	sor.u32 $0x280, s26;
	[sflag:s18] =	ssyncadd.s32 $0xFFFFC180  }
0x6e: {  	[tilespmem:s21], [sflag:$0x2] =	stream.indirect.gather [hbm4b:s1+s20], $0x80, s28, s20, $0xb8;
	[tilespmem:$0x1E000] =	vst v63  }
0x6f: {  	_ =	swait.ge [sflag:s22], $0x3E80  }
0x70: {  	[sflag:s22] =	ssyncset.done $0x0  }
0x71: {  	s28 =	sor.u32 $0x1200, s26;
	[sflag:s22] =	ssyncadd.s32 $0xFFFFC180  }
0x72: {  	[spmem:s2] =	stream.indirect.scatter.add.f32 [tilespmem:s17], [sflag:$0x3], $0x80, s28, s20, $0xb8;
	[tilespmem:$0x1E000] =	vst v63  }
0x73: {  	_ =	swait.ge [sflag:s18], $0x3E80  }
0x74: {  	[sflag:s18] =	ssyncset.done $0x0  }
0x75: {  	s28 =	sor.u32 $0x300, s26;
	[sflag:s18] =	ssyncadd.s32 $0xFFFFC180  }
0x76: {  	[tilespmem:s17], [sflag:$0x1] =	stream.indirect.gather [hbm4b:s1+s20], $0x80, s28, s20, $0xb8;
	[tilespmem:$0x1E000] =	vst v63  }
0x77: {  	_ =	swait.ge [sflag:s23], $0x3E80  }
0x78: {  	[sflag:s23] =	ssyncset.done $0x0  }
0x79: {  	s28 =	sor.u32 $0x1280, s26;
	[sflag:s23] =	ssyncadd.s32 $0xFFFFC180  }
0x7a: {  	[spmem:s2] =	stream.indirect.scatter.add.f32 [tilespmem:s21], [sflag:$0x3], $0x80, s28, s20, $0xb8;
	[tilespmem:$0x1E000] =	vst v63  }
0x7b: {  	_ =	swait.ge [sflag:s18], $0x3E80  }
0x7c: {  	[sflag:s18] =	ssyncset.done $0x0  }
0x7d: {  	s28 =	sor.u32 $0x380, s26;
	[sflag:s18] =	ssyncadd.s32 $0xFFFFC180  }
0x7e: {  	[tilespmem:s21], [sflag:$0x2] =	stream.indirect.gather [hbm4b:s1+s20], $0x80, s28, s20, $0xb8;
	[tilespmem:$0x1E000] =	vst v63  }
0x7f: {  	_ =	swait.ge [sflag:s22], $0x3E80  }
0x80: {  	[sflag:s22] =	ssyncset.done $0x0  }
0x81: {  	s28 =	sor.u32 $0x1300, s26;
	[sflag:s22] =	ssyncadd.s32 $0xFFFFC180  }
0x82: {  	[spmem:s2] =	stream.indirect.scatter.add.f32 [tilespmem:s17], [sflag:$0x3], $0x80, s28, s20, $0xb8;
	[tilespmem:$0x1E000] =	vst v63  }
0x83: {  	_ =	swait.ge [sflag:s18], $0x3E80  }
0x84: {  	[sflag:s18] =	ssyncset.done $0x0  }
0x85: {  	s28 =	sor.u32 $0x400, s26;
	[sflag:s18] =	ssyncadd.s32 $0xFFFFC180  }
0x86: {  	[tilespmem:s17], [sflag:$0x1] =	stream.indirect.gather [hbm4b:s1+s20], $0x80, s28, s20, $0xb8;
	[tilespmem:$0x1E000] =	vst v63  }
0x87: {  	_ =	swait.ge [sflag:s23], $0x3E80  }
0x88: {  	[sflag:s23] =	ssyncset.done $0x0  }
0x89: {  	s28 =	sor.u32 $0x1380, s26;
	[sflag:s23] =	ssyncadd.s32 $0xFFFFC180  }
0x8a: {  	[spmem:s2] =	stream.indirect.scatter.add.f32 [tilespmem:s21], [sflag:$0x3], $0x80, s28, s20, $0xb8;
	[tilespmem:$0x1E000] =	vst v63  }
0x8b: {  	_ =	swait.ge [sflag:s18], $0x3E80  }
0x8c: {  	[sflag:s18] =	ssyncset.done $0x0  }
0x8d: {  	s28 =	sor.u32 $0x480, s26;
	[sflag:s18] =	ssyncadd.s32 $0xFFFFC180  }
0x8e: {  	[tilespmem:s21], [sflag:$0x2] =	stream.indirect.gather [hbm4b:s1+s20], $0x80, s28, s20, $0xb8;
	[tilespmem:$0x1E000] =	vst v63  }
0x8f: {  	_ =	swait.ge [sflag:s22], $0x3E80  }
0x90: {  	[sflag:s22] =	ssyncset.done $0x0  }
0x91: {  	s26 =	sor.u32 $0x1400, s26;
	[sflag:s22] =	ssyncadd.s32 $0xFFFFC180  }
0x92: {  	[spmem:s2] =	stream.indirect.scatter.add.f32 [tilespmem:s17], [sflag:$0x3], $0x80, s26, s20, $0xb8;
	[tilespmem:$0x1E000] =	vst v63  }
0x93: {  	p0 =	por $0x0, $0x0;
	_ =	swait.ge [sflag:s18], $0x3E80  }
0x94: {  	s25 =	sshll.u32 @!p0 s25, $0xB;
	[sflag:s18] =	ssyncset.done $0x0  }
0x95: {  	s29 =	simm.s32 @!p0 $0x7D;
	s26 =	simm.s32 @!p0 $0x2000;
	[sflag:s18] =	ssyncadd.s32 $0xFFFFC180  }
0x96: {  	[tilespmem:s26], [sflag:$0x1] =	stream.indirect.gather @!p0 [hbm4b:s1+s29], $0x80, s25, s29, $0xb8;
	[tilespmem:$0x1E000] =	vst v63  }
0x97: {  	_ =	swait.ge [sflag:s23], $0x3E80  }
0x98: {  	p1 =	por $0x0, $0x0;
	s31 =	sor.u32 $0x1000, s28;
	[sflag:s23] =	ssyncset.done $0x0  }
0x99: {  	s28 =	sadd.s32 $0x100, s16;
	s29 =	simm.s32 $0x2;
	[sflag:s23] =	ssyncadd.s32 $0xFFFFC180  }
0x9a: {  	[spmem:s2] =	stream.indirect.scatter.add.f32 [tilespmem:s21], [sflag:$0x3], $0x80, s31, s20, $0xb8;
	[tilespmem:$0x1E000] =	vst v63  }
0x9b: {  	s26 =	sadd.s32 $0x100, s15;
	s25 =	sand.u32 $0x1, s29;
	_ =	swait.ge [sflag:s18], $0x3E80  }
.LBB2_4:
0x9c: {  	s31 =	sshll.u32 @!p1 s25, $0xB  }
0x9d: {  	[sflag:s18] =	ssyncset.done $0x0;
	s30 =	smov.u32 s29;
	s29 =	sadd.s32 $0x1, s29  }
0x9e: {  	s0 =	simm.s32 @!p1 $0x0;
	s19 =	simm.s32 @!p1 $0x3;
	[sflag:s18] =	ssyncadd.s32 $0xFFFFC180  }
0x9f: {  	[tilespmem:s31], [sflag:$0x3] =	stream.linear.gather @!p1 [hbm4b:s28+s0], $0x500, $0x38;
	[tilespmem:$0x1E000] =	vst v63  }
0xa0: {  	p0 =	sne.s32 s29, $0x8;
	s31 =	sor.u32 @!p1 $0x1000, s31;
	_ =	swait.ge @!p1 [sflag:s19], $0x500  }
0xa1: {  	[sflag:s19] =	ssyncset.done @!p1 $0x0  }
0xa2: {  	s3 =	sand.u32 $0x1, s24;
	[sflag:s19] =	ssyncadd.s32 @!p1 $0xFFFFFB00  }
0xa3: {  	[tilespmem:s31], [sflag:$0x3] =	stream.linear.gather @!p1 [hbm4b:s26+s0], $0x500, $0x38;
	[tilespmem:$0x1E000] =	vst v63  }
0xa4: {  	s31 =	sshll.u32 s3, $0xB;
	_ =	swait.ge @!p1 [sflag:s19], $0x500  }
0xa5: {  	s0 =	sor.u32 $0x80, s31;
	[sflag:s19] =	ssyncset.done @!p1 $0x0  }
0xa6: {  	[sflag:s19] =	ssyncadd.s32 @!p1 $0xFFFFFB00  }
0xa7: {  	[tilespmem:s21], [sflag:$0x2] =	stream.indirect.gather [hbm4b:s1+s20], $0x80, s0, s20, $0xb8;
	[tilespmem:$0x1E000] =	vst v63  }
0xa8: {  	_ =	swait.ge [sflag:s22], $0x3E80  }
0xa9: {  	s0 =	sor.u32 $0x1000, s31;
	[sflag:s22] =	ssyncset.done $0x0  }
0xaa: {  	[sflag:s22] =	ssyncadd.s32 $0xFFFFC180  }
0xab: {  	[spmem:s2] =	stream.indirect.scatter.add.f32 [tilespmem:s17], [sflag:$0x3], $0x80, s0, s20, $0xb8;
	[tilespmem:$0x1E000] =	vst v63  }
0xac: {  	_ =	swait.ge [sflag:s18], $0x3E80  }
0xad: {  	s0 =	sor.u32 $0x100, s31;
	[sflag:s18] =	ssyncset.done $0x0  }
0xae: {  	[sflag:s18] =	ssyncadd.s32 $0xFFFFC180  }
0xaf: {  	[tilespmem:s17], [sflag:$0x1] =	stream.indirect.gather [hbm4b:s1+s20], $0x80, s0, s20, $0xb8;
	[tilespmem:$0x1E000] =	vst v63  }
0xb0: {  	_ =	swait.ge [sflag:s23], $0x3E80  }
0xb1: {  	s0 =	sor.u32 $0x1080, s31;
	[sflag:s23] =	ssyncset.done $0x0  }
0xb2: {  	[sflag:s23] =	ssyncadd.s32 $0xFFFFC180  }
0xb3: {  	[spmem:s2] =	stream.indirect.scatter.add.f32 [tilespmem:s21], [sflag:$0x3], $0x80, s0, s20, $0xb8;
	[tilespmem:$0x1E000] =	vst v63  }
0xb4: {  	_ =	swait.ge [sflag:s18], $0x3E80  }
0xb5: {  	s0 =	sor.u32 $0x180, s31;
	[sflag:s18] =	ssyncset.done $0x0  }
0xb6: {  	[sflag:s18] =	ssyncadd.s32 $0xFFFFC180  }
0xb7: {  	[tilespmem:s21], [sflag:$0x2] =	stream.indirect.gather [hbm4b:s1+s20], $0x80, s0, s20, $0xb8;
	[tilespmem:$0x1E000] =	vst v63  }
0xb8: {  	_ =	swait.ge [sflag:s22], $0x3E80  }
0xb9: {  	s0 =	sor.u32 $0x1100, s31;
	[sflag:s22] =	ssyncset.done $0x0  }
0xba: {  	[sflag:s22] =	ssyncadd.s32 $0xFFFFC180  }
0xbb: {  	[spmem:s2] =	stream.indirect.scatter.add.f32 [tilespmem:s17], [sflag:$0x3], $0x80, s0, s20, $0xb8;
	[tilespmem:$0x1E000] =	vst v63  }
0xbc: {  	_ =	swait.ge [sflag:s18], $0x3E80  }
0xbd: {  	s0 =	sor.u32 $0x200, s31;
	[sflag:s18] =	ssyncset.done $0x0  }
0xbe: {  	[sflag:s18] =	ssyncadd.s32 $0xFFFFC180  }
0xbf: {  	[tilespmem:s17], [sflag:$0x1] =	stream.indirect.gather [hbm4b:s1+s20], $0x80, s0, s20, $0xb8;
	[tilespmem:$0x1E000] =	vst v63  }
0xc0: {  	_ =	swait.ge [sflag:s23], $0x3E80  }
0xc1: {  	s0 =	sor.u32 $0x1180, s31;
	[sflag:s23] =	ssyncset.done $0x0  }
0xc2: {  	[sflag:s23] =	ssyncadd.s32 $0xFFFFC180  }
0xc3: {  	[spmem:s2] =	stream.indirect.scatter.add.f32 [tilespmem:s21], [sflag:$0x3], $0x80, s0, s20, $0xb8;
	[tilespmem:$0x1E000] =	vst v63  }
0xc4: {  	_ =	swait.ge [sflag:s18], $0x3E80  }
0xc5: {  	s0 =	sor.u32 $0x280, s31;
	[sflag:s18] =	ssyncset.done $0x0  }
0xc6: {  	[sflag:s18] =	ssyncadd.s32 $0xFFFFC180  }
0xc7: {  	[tilespmem:s21], [sflag:$0x2] =	stream.indirect.gather [hbm4b:s1+s20], $0x80, s0, s20, $0xb8;
	[tilespmem:$0x1E000] =	vst v63  }
0xc8: {  	_ =	swait.ge [sflag:s22], $0x3E80  }
0xc9: {  	s0 =	sor.u32 $0x1200, s31;
	[sflag:s22] =	ssyncset.done $0x0  }
0xca: {  	[sflag:s22] =	ssyncadd.s32 $0xFFFFC180  }
0xcb: {  	[spmem:s2] =	stream.indirect.scatter.add.f32 [tilespmem:s17], [sflag:$0x3], $0x80, s0, s20, $0xb8;
	[tilespmem:$0x1E000] =	vst v63  }
0xcc: {  	_ =	swait.ge [sflag:s18], $0x3E80  }
0xcd: {  	s0 =	sor.u32 $0x300, s31;
	[sflag:s18] =	ssyncset.done $0x0  }
0xce: {  	[sflag:s18] =	ssyncadd.s32 $0xFFFFC180  }
0xcf: {  	[tilespmem:s17], [sflag:$0x1] =	stream.indirect.gather [hbm4b:s1+s20], $0x80, s0, s20, $0xb8;
	[tilespmem:$0x1E000] =	vst v63  }
0xd0: {  	_ =	swait.ge [sflag:s23], $0x3E80  }
0xd1: {  	s0 =	sor.u32 $0x1280, s31;
	[sflag:s23] =	ssyncset.done $0x0  }
0xd2: {  	[sflag:s23] =	ssyncadd.s32 $0xFFFFC180  }
0xd3: {  	[spmem:s2] =	stream.indirect.scatter.add.f32 [tilespmem:s21], [sflag:$0x3], $0x80, s0, s20, $0xb8;
	[tilespmem:$0x1E000] =	vst v63  }
0xd4: {  	_ =	swait.ge [sflag:s18], $0x3E80  }
0xd5: {  	s0 =	sor.u32 $0x380, s31;
	[sflag:s18] =	ssyncset.done $0x0  }
0xd6: {  	[sflag:s18] =	ssyncadd.s32 $0xFFFFC180  }
0xd7: {  	[tilespmem:s21], [sflag:$0x2] =	stream.indirect.gather [hbm4b:s1+s20], $0x80, s0, s20, $0xb8;
	[tilespmem:$0x1E000] =	vst v63  }
0xd8: {  	_ =	swait.ge [sflag:s22], $0x3E80  }
0xd9: {  	s0 =	sor.u32 $0x1300, s31;
	[sflag:s22] =	ssyncset.done $0x0  }
0xda: {  	[sflag:s22] =	ssyncadd.s32 $0xFFFFC180  }
0xdb: {  	[spmem:s2] =	stream.indirect.scatter.add.f32 [tilespmem:s17], [sflag:$0x3], $0x80, s0, s20, $0xb8;
	[tilespmem:$0x1E000] =	vst v63  }
0xdc: {  	_ =	swait.ge [sflag:s18], $0x3E80  }
0xdd: {  	s0 =	sor.u32 $0x400, s31;
	[sflag:s18] =	ssyncset.done $0x0  }
0xde: {  	[sflag:s18] =	ssyncadd.s32 $0xFFFFC180  }
0xdf: {  	[tilespmem:s17], [sflag:$0x1] =	stream.indirect.gather [hbm4b:s1+s20], $0x80, s0, s20, $0xb8;
	[tilespmem:$0x1E000] =	vst v63  }
0xe0: {  	_ =	swait.ge [sflag:s23], $0x3E80  }
0xe1: {  	s0 =	sor.u32 $0x1380, s31;
	[sflag:s23] =	ssyncset.done $0x0  }
0xe2: {  	[sflag:s23] =	ssyncadd.s32 $0xFFFFC180  }
0xe3: {  	[spmem:s2] =	stream.indirect.scatter.add.f32 [tilespmem:s21], [sflag:$0x3], $0x80, s0, s20, $0xb8;
	[tilespmem:$0x1E000] =	vst v63  }
0xe4: {  	_ =	swait.ge [sflag:s18], $0x3E80  }
0xe5: {  	s0 =	sor.u32 $0x480, s31;
	[sflag:s18] =	ssyncset.done $0x0  }
0xe6: {  	[sflag:s18] =	ssyncadd.s32 $0xFFFFC180  }
0xe7: {  	[tilespmem:s21], [sflag:$0x2] =	stream.indirect.gather [hbm4b:s1+s20], $0x80, s0, s20, $0xb8;
	[tilespmem:$0x1E000] =	vst v63  }
0xe8: {  	_ =	swait.ge [sflag:s22], $0x3E80  }
0xe9: {  	s3 =	sor.u32 $0x1400, s31;
	[sflag:s22] =	ssyncset.done $0x0  }
0xea: {  	[sflag:s22] =	ssyncadd.s32 $0xFFFFC180  }
0xeb: {  	[spmem:s2] =	stream.indirect.scatter.add.f32 [tilespmem:s17], [sflag:$0x3], $0x80, s3, s20, $0xb8;
	[tilespmem:$0x1E000] =	vst v63  }
0xec: {  	p1 =	sgt.u32 s24, $0x6;
	s24 =	smov.u32 s30;
	_ =	swait.ge [sflag:s18], $0x3E80  }
0xed: {  	s19 =	simm.s32 @!p1 $0x2000;
	s3 =	sshll.u32 @!p1 s25, $0xB;
	[sflag:s18] =	ssyncset.done $0x0  }
0xee: {  	s25 =	simm.s32 @!p1 $0x7D;
	[sflag:s18] =	ssyncadd.s32 $0xFFFFC180  }
0xef: {  	[tilespmem:s19], [sflag:$0x1] =	stream.indirect.gather @!p1 [hbm4b:s1+s25], $0x80, s3, s25, $0xb8;
	[tilespmem:$0x1E000] =	vst v63  }
.Ltmp1:
0xf0: {  	_ =	swait.ge [sflag:s23], $0x3E80;
	(pc) =	sbr.rel @p0 .LBB2_4-.Ltmp1, $4  }
0xf1: {  	s0 =	sor.u32 $0x1000, s0;
	[sflag:s23] =	ssyncset.done $0x0  }
0xf2: {  	s28 =	sadd.s32 $0x100, s28;
	s26 =	sadd.s32 $0x100, s26;
	[sflag:s23] =	ssyncadd.s32 $0xFFFFC180  }
0xf3: {  	[spmem:s2] =	stream.indirect.scatter.add.f32 [tilespmem:s21], [sflag:$0x3], $0x80, s0, s20, $0xb8;
	[tilespmem:$0x1E000] =	vst v63  }
0xf4: {  	s25 =	sand.u32 $0x1, s29;
	p1 =	seq.s32 s24, $0x7;
	_ =	swait.ge [sflag:s18], $0x3E80  }
0xf5: {  	s0 =	sshll.u32 @!p1 s25, $0xB;
	[sflag:s18] =	ssyncset.done $0x0  }
0xf6: {  	s3 =	simm.s32 @!p1 $0x0;
	s19 =	simm.s32 @!p1 $0x3;
	[sflag:s18] =	ssyncadd.s32 $0xFFFFC180  }
0xf7: {  	[tilespmem:s0], [sflag:$0x3] =	stream.linear.gather @!p1 [hbm4b:s28+s3], $0x500, $0x38;
	[tilespmem:$0x1E000] =	vst v63  }
0xf8: {  	_ =	swait.ge @!p1 [sflag:s19], $0x500  }
0xf9: {  	[sflag:s19] =	ssyncset.done @!p1 $0x0  }
0xfa: {  	s0 =	sor.u32 @!p1 $0x1000, s0;
	[sflag:s19] =	ssyncadd.s32 @!p1 $0xFFFFFB00  }
0xfb: {  	[tilespmem:s0], [sflag:$0x3] =	stream.linear.gather @!p1 [hbm4b:s26+s3], $0x500, $0x38;
	[tilespmem:$0x1E000] =	vst v63  }
0xfc: {  	s30 =	sand.u32 $0x1, s24;
	_ =	swait.ge @!p1 [sflag:s19], $0x500  }
0xfd: {  	s26 =	sshll.u32 s30, $0xB;
	[sflag:s19] =	ssyncset.done @!p1 $0x0  }
0xfe: {  	s0 =	sor.u32 $0x80, s26;
	[sflag:s19] =	ssyncadd.s32 @!p1 $0xFFFFFB00  }
0xff: {  	[tilespmem:s21], [sflag:$0x2] =	stream.indirect.gather [hbm4b:s1+s20], $0x80, s0, s20, $0xb8;
	[tilespmem:$0x1E000] =	vst v63  }
0x100: {  	_ =	swait.ge [sflag:s22], $0x3E80  }
0x101: {  	[sflag:s22] =	ssyncset.done $0x0  }
0x102: {  	s31 =	sor.u32 $0x1000, s26;
	[sflag:s22] =	ssyncadd.s32 $0xFFFFC180  }
0x103: {  	[spmem:s2] =	stream.indirect.scatter.add.f32 [tilespmem:s17], [sflag:$0x3], $0x80, s31, s20, $0xb8;
	[tilespmem:$0x1E000] =	vst v63  }
0x104: {  	_ =	swait.ge [sflag:s18], $0x3E80  }
0x105: {  	[sflag:s18] =	ssyncset.done $0x0  }
0x106: {  	s3 =	sor.u32 $0x100, s26;
	[sflag:s18] =	ssyncadd.s32 $0xFFFFC180  }
0x107: {  	[tilespmem:s17], [sflag:$0x1] =	stream.indirect.gather [hbm4b:s1+s20], $0x80, s3, s20, $0xb8;
	[tilespmem:$0x1E000] =	vst v63  }
0x108: {  	_ =	swait.ge [sflag:s23], $0x3E80  }
0x109: {  	[sflag:s23] =	ssyncset.done $0x0  }
0x10a: {  	s19 =	sor.u32 $0x1080, s26;
	[sflag:s23] =	ssyncadd.s32 $0xFFFFC180  }
0x10b: {  	[spmem:s2] =	stream.indirect.scatter.add.f32 [tilespmem:s21], [sflag:$0x3], $0x80, s19, s20, $0xb8;
	[tilespmem:$0x1E000] =	vst v63  }
0x10c: {  	_ =	swait.ge [sflag:s18], $0x3E80  }
0x10d: {  	[sflag:s18] =	ssyncset.done $0x0  }
0x10e: {  	s28 =	sor.u32 $0x180, s26;
	[sflag:s18] =	ssyncadd.s32 $0xFFFFC180  }
0x10f: {  	[tilespmem:s21], [sflag:$0x2] =	stream.indirect.gather [hbm4b:s1+s20], $0x80, s28, s20, $0xb8;
	[tilespmem:$0x1E000] =	vst v63  }
0x110: {  	_ =	swait.ge [sflag:s22], $0x3E80  }
0x111: {  	[sflag:s22] =	ssyncset.done $0x0  }
0x112: {  	s29 =	sor.u32 $0x1100, s26;
	[sflag:s22] =	ssyncadd.s32 $0xFFFFC180  }
0x113: {  	[spmem:s2] =	stream.indirect.scatter.add.f32 [tilespmem:s17], [sflag:$0x3], $0x80, s29, s20, $0xb8;
	[tilespmem:$0x1E000] =	vst v63  }
0x114: {  	_ =	swait.ge [sflag:s18], $0x3E80  }
0x115: {  	[sflag:s18] =	ssyncset.done $0x0  }
0x116: {  	s30 =	sor.u32 $0x200, s26;
	[sflag:s18] =	ssyncadd.s32 $0xFFFFC180  }
0x117: {  	[tilespmem:s17], [sflag:$0x1] =	stream.indirect.gather [hbm4b:s1+s20], $0x80, s30, s20, $0xb8;
	[tilespmem:$0x1E000] =	vst v63  }
0x118: {  	_ =	swait.ge [sflag:s23], $0x3E80  }
0x119: {  	[sflag:s23] =	ssyncset.done $0x0  }
0x11a: {  	s31 =	sor.u32 $0x1180, s26;
	[sflag:s23] =	ssyncadd.s32 $0xFFFFC180  }
0x11b: {  	[spmem:s2] =	stream.indirect.scatter.add.f32 [tilespmem:s21], [sflag:$0x3], $0x80, s31, s20, $0xb8;
	[tilespmem:$0x1E000] =	vst v63  }
0x11c: {  	_ =	swait.ge [sflag:s18], $0x3E80  }
0x11d: {  	[sflag:s18] =	ssyncset.done $0x0  }
0x11e: {  	s3 =	sor.u32 $0x280, s26;
	[sflag:s18] =	ssyncadd.s32 $0xFFFFC180  }
0x11f: {  	[tilespmem:s21], [sflag:$0x2] =	stream.indirect.gather [hbm4b:s1+s20], $0x80, s3, s20, $0xb8;
	[tilespmem:$0x1E000] =	vst v63  }
0x120: {  	_ =	swait.ge [sflag:s22], $0x3E80  }
0x121: {  	[sflag:s22] =	ssyncset.done $0x0  }
0x122: {  	s19 =	sor.u32 $0x1200, s26;
	[sflag:s22] =	ssyncadd.s32 $0xFFFFC180  }
0x123: {  	[spmem:s2] =	stream.indirect.scatter.add.f32 [tilespmem:s17], [sflag:$0x3], $0x80, s19, s20, $0xb8;
	[tilespmem:$0x1E000] =	vst v63  }
0x124: {  	_ =	swait.ge [sflag:s18], $0x3E80  }
0x125: {  	[sflag:s18] =	ssyncset.done $0x0  }
0x126: {  	s28 =	sor.u32 $0x300, s26;
	[sflag:s18] =	ssyncadd.s32 $0xFFFFC180  }
0x127: {  	[tilespmem:s17], [sflag:$0x1] =	stream.indirect.gather [hbm4b:s1+s20], $0x80, s28, s20, $0xb8;
	[tilespmem:$0x1E000] =	vst v63  }
0x128: {  	_ =	swait.ge [sflag:s23], $0x3E80  }
0x129: {  	[sflag:s23] =	ssyncset.done $0x0  }
0x12a: {  	s29 =	sor.u32 $0x1280, s26;
	[sflag:s23] =	ssyncadd.s32 $0xFFFFC180  }
0x12b: {  	[spmem:s2] =	stream.indirect.scatter.add.f32 [tilespmem:s21], [sflag:$0x3], $0x80, s29, s20, $0xb8;
	[tilespmem:$0x1E000] =	vst v63  }
0x12c: {  	_ =	swait.ge [sflag:s18], $0x3E80  }
0x12d: {  	[sflag:s18] =	ssyncset.done $0x0  }
0x12e: {  	s30 =	sor.u32 $0x380, s26;
	[sflag:s18] =	ssyncadd.s32 $0xFFFFC180  }
0x12f: {  	[tilespmem:s21], [sflag:$0x2] =	stream.indirect.gather [hbm4b:s1+s20], $0x80, s30, s20, $0xb8;
	[tilespmem:$0x1E000] =	vst v63  }
0x130: {  	_ =	swait.ge [sflag:s22], $0x3E80  }
0x131: {  	[sflag:s22] =	ssyncset.done $0x0  }
0x132: {  	s31 =	sor.u32 $0x1300, s26;
	[sflag:s22] =	ssyncadd.s32 $0xFFFFC180  }
0x133: {  	[spmem:s2] =	stream.indirect.scatter.add.f32 [tilespmem:s17], [sflag:$0x3], $0x80, s31, s20, $0xb8;
	[tilespmem:$0x1E000] =	vst v63  }
0x134: {  	_ =	swait.ge [sflag:s18], $0x3E80  }
0x135: {  	[sflag:s18] =	ssyncset.done $0x0  }
0x136: {  	s3 =	sor.u32 $0x400, s26;
	[sflag:s18] =	ssyncadd.s32 $0xFFFFC180  }
0x137: {  	[tilespmem:s17], [sflag:$0x1] =	stream.indirect.gather [hbm4b:s1+s20], $0x80, s3, s20, $0xb8;
	[tilespmem:$0x1E000] =	vst v63  }
0x138: {  	_ =	swait.ge [sflag:s23], $0x3E80  }
0x139: {  	[sflag:s23] =	ssyncset.done $0x0  }
0x13a: {  	s19 =	sor.u32 $0x1380, s26;
	[sflag:s23] =	ssyncadd.s32 $0xFFFFC180  }
0x13b: {  	[spmem:s2] =	stream.indirect.scatter.add.f32 [tilespmem:s21], [sflag:$0x3], $0x80, s19, s20, $0xb8;
	[tilespmem:$0x1E000] =	vst v63  }
0x13c: {  	_ =	swait.ge [sflag:s18], $0x3E80  }
0x13d: {  	[sflag:s18] =	ssyncset.done $0x0  }
0x13e: {  	s28 =	sor.u32 $0x480, s26;
	[sflag:s18] =	ssyncadd.s32 $0xFFFFC180  }
0x13f: {  	[tilespmem:s21], [sflag:$0x2] =	stream.indirect.gather [hbm4b:s1+s20], $0x80, s28, s20, $0xb8;
	[tilespmem:$0x1E000] =	vst v63  }
0x140: {  	_ =	swait.ge [sflag:s22], $0x3E80  }
0x141: {  	[sflag:s22] =	ssyncset.done $0x0  }
0x142: {  	s29 =	sor.u32 $0x1400, s26;
	[sflag:s22] =	ssyncadd.s32 $0xFFFFC180  }
0x143: {  	[spmem:s2] =	stream.indirect.scatter.add.f32 [tilespmem:s17], [sflag:$0x3], $0x80, s29, s20, $0xb8;
	[tilespmem:$0x1E000] =	vst v63  }
0x144: {  	p0 =	sgt.u32 s24, $0x6;
	_ =	swait.ge [sflag:s18], $0x3E80  }
0x145: {  	s24 =	simm.s32 @!p0 $0x7D;
	[sflag:s18] =	ssyncset.done $0x0  }
0x146: {  	s3 =	sshll.u32 @!p0 s25, $0xB;
	s19 =	simm.s32 @!p0 $0x2000;
	[sflag:s18] =	ssyncadd.s32 $0xFFFFC180  }
0x147: {  	[tilespmem:s19], [sflag:$0x1] =	stream.indirect.gather @!p0 [hbm4b:s1+s24], $0x80, s3, s24, $0xb8;
	[tilespmem:$0x1E000] =	vst v63  }
0x148: {  	_ =	swait.ge [sflag:s23], $0x3E80  }
0x149: {  	[sflag:s23] =	ssyncset.done $0x0  }
0x14a: {  	s0 =	sor.u32 $0x1000, s28;
	[sflag:s23] =	ssyncadd.s32 $0xFFFFC180  }
0x14b: {  	[spmem:s2] =	stream.indirect.scatter.add.f32 [tilespmem:s21], [sflag:$0x3], $0x80, s0, s20, $0xb8;
	[tilespmem:$0x1E000] =	vst v63  }
0x14c: {  	s4 =	sadd.s32 $0x1, s4;
	_ =	swait.ge [sflag:s18], $0x3E80  }
0x14d: {  	s30 =	stileid.u32;
	s31 =	sshrl.u32 s5, $0x3;
	[sflag:s18] =	ssyncset.done $0x0  }
0x14e: {  	p0 =	sne.s32 s4, s14;
	s0 =	sshll.u32 s30, $0x6;
	[sflag:s18] =	ssyncadd.s32 $0xFFFFC180  }
.Ltmp2:
0x14f: {  	s0 =	sor.u32 $0x1C03, s0;
	[bflag:$0x0] =	sbarrier.arrive $0xFFFF;
	(pc) =	sbr.rel @p0 .LBB2_1-.Ltmp2, $4  }
0x150: {  	[hbm:s13], [sflag:s0] =	dma.local [spmem:s31], $0x2800  }
0x151: {  	_ =	swait.ge [sflag:s18], $0x2800  }
0x152: {  	[sflag:s18] =	ssyncset.done $0x0  }
0x153: {  	[sflag:s18] =	ssyncadd.s32 $0xFFFFD800  }
0x154: {  	_ =	sfence.sel $0x180000  }
0x155: {  	[bflag:$0x0] =	sbarrier.arrive $0xFFFF  }
0x156: {  	_ =	strace $0x9000004A  }
0x157: {  	s0 =	stileid.u32;
	[bflag:$0x2] =	sbarrier.arrive $0xFFFF  }
0x158: {  	p0 =	sne.s32 s0, $0x0;
	s0 =	rddreg [dreg:$0x3]  }
0x159: {  	s0 =	sadd.s32 @!p0 $0x100000, s0  }
0x15a: {  	[sflag:s0] =	ssyncadd.tile.s32 @!p0 $0x1;
	_ =	shalt  }
.Lfunc_end2:
_tile_overlayer_lowered:
.L_overlay_start_2:
0x15b: {  	(tag) =	ssettag $0x2  }
0x15c: {  	s0 =	rddreg [dreg:$0x0];
	s2 =	stileid.u32  }
0x15d: {  	s1 =	rddreg [dreg:$0x1];
	p0 =	sne.s32 s2, $0x0  }
0x15e: {  	s3 =	rddreg [dreg:$0x2];
	[bflag:$0x3] =	sbarrier.arrive $0xFFFF;
	s2 =	simm.s32 @!p0 $0x1C03  }
0x15f: {  	[timem:s3], [sflag:s2] =	dma.local @!p0 [hbm:s0], s1  }
0x160: {  	s0 =	simm.s32 @!p0 $0x3  }
0x161: {  	_ =	swait.ge @!p0 [sflag:s0], s1  }
0x162: {  	s1 =	ssub.s32 @!p0 $0x0, s1;
	[sflag:s0] =	ssyncset.done @!p0 $0x0  }
0x163: {  	[sflag:s0] =	ssyncadd.s32 @!p0 s1  }
0x164: {  	[bflag:$0x3] =	sbarrier.arrive $0xFFFF  }
0x165: {  	_ =	shalt  }

</sc_bundles>
